<compile_context>
chip_gen: v7x
topology: tpu7x:2x2x1
jax: 0.10.2.dev20260603
libtpu: 0.0.44.dev20260713+nightly
codegen_flags: <defaults>
</compile_context>

<pallas_src>
import functools

import jax
import jax.numpy as jnp
from jax import lax
from jax.experimental import pallas as pl
from jax.experimental.pallas import tpu as pltpu
from jax.experimental.pallas import tpu_sc as plsc

VEC = 64
CTX = 20
NOISE = 26
BATCH = 16384
LANES = 16

_info = plsc.get_sparse_core_info()
NC = _info.num_cores
NS = _info.num_subcores
NW = NC * NS
S = 16
PER_W = BATCH // NW
N_CHUNKS = PER_W // S
CTXP = 384
TNP = 512
DG = 128


@functools.partial(
    pl.kernel,
    mesh=plsc.VectorSubcoreMesh(core_axis_name="c", subcore_axis_name="s"),
    compiler_params=pltpu.CompilerParams(
        needs_layout_passes=False, use_tc_tiling_on_sc=False),
    out_type=jax.ShapeDtypeStruct((BATCH, NOISE), jnp.float32),
    scratch_types=[
        pltpu.VMEM((2 * CTXP,), jnp.int32),
        pltpu.VMEM((PER_W,), jnp.int32),
        pltpu.VMEM((2 * TNP,), jnp.int32),
        pltpu.VMEM((2 * CTXP, VEC), jnp.float32),
        pltpu.VMEM((DG, VEC), jnp.float32),
        pltpu.VMEM((2 * TNP, VEC), jnp.float32),
        pltpu.VMEM((2 * S, NOISE), jnp.float32),
        pltpu.SemaphoreType.DMA,
        pltpu.SemaphoreType.DMA,
        pltpu.SemaphoreType.DMA,
        pltpu.SemaphoreType.DMA,
    ],
)
def _dm_sc(ctx_hbm, doc_hbm, tn_hbm, d_hbm, w_hbm, ot_hbm, out_hbm,
           ctx_idx, doc_idx, tn_idx, wrows, drows, otrows, obuf,
           sem, isem, dsem, osem):
    wid = lax.axis_index("s") * NC + lax.axis_index("c")
    last_lane = lax.iota(jnp.int32, LANES) == (LANES - 1)
    cbase = pl.multiple_of(wid * (N_CHUNKS * CTXP), N_CHUNKS * CTXP)
    tbase = pl.multiple_of(wid * (N_CHUNKS * TNP), N_CHUNKS * TNP)
    obase = pl.multiple_of(wid * PER_W, PER_W)

    def idx_slot(par):
        return (pl.multiple_of(par * CTXP, CTXP),
                pl.multiple_of(par * TNP, TNP))

    def issue_idx_dma(c, par):
        co, to = idx_slot(par)
        pltpu.async_copy(ctx_hbm.at[pl.ds(cbase + c * CTXP, CTXP)],
                         ctx_idx.at[pl.ds(co, CTXP)], isem)
        pltpu.async_copy(tn_hbm.at[pl.ds(tbase + c * TNP, TNP)],
                         tn_idx.at[pl.ds(to, TNP)], isem)

    def wait_idx_dma(c, par):
        co, to = idx_slot(par)
        pltpu.make_async_copy(ctx_hbm.at[pl.ds(cbase + c * CTXP, CTXP)],
                              ctx_idx.at[pl.ds(co, CTXP)], isem).wait()
        pltpu.make_async_copy(tn_hbm.at[pl.ds(tbase + c * TNP, TNP)],
                              tn_idx.at[pl.ds(to, TNP)], isem).wait()

    def gather_ops(par):
        co, to = idx_slot(par)
        gw = pltpu.make_async_copy(
            w_hbm.at[ctx_idx.at[pl.ds(co, CTXP)]],
            wrows.at[pl.ds(co, CTXP), :], sem)
        gt = pltpu.make_async_copy(
            ot_hbm.at[tn_idx.at[pl.ds(to, TNP)]],
            otrows.at[pl.ds(to, TNP), :], sem)
        return gw, gt

    def doc_gather_op(g):
        gb = pl.multiple_of(g * DG, DG)
        return pltpu.make_async_copy(
            d_hbm.at[doc_idx.at[pl.ds(gb, DG)]], drows, dsem)

    def out_copy_op(c, par):
        ob = pl.multiple_of(par * S, S)
        return pltpu.make_async_copy(
            obuf.at[pl.ds(ob, S), :],
            out_hbm.at[pl.ds(obase + c * S, S), :], osem)

    pltpu.sync_copy(doc_hbm.at[pl.ds(obase, PER_W)], doc_idx)
    doc_gather_op(0).start()
    co0, to0 = idx_slot(0)
    pltpu.sync_copy(ctx_hbm.at[pl.ds(cbase, CTXP)], ctx_idx.at[pl.ds(co0, CTXP)])
    pltpu.sync_copy(tn_hbm.at[pl.ds(tbase, TNP)], tn_idx.at[pl.ds(to0, TNP)])
    gw0, gt0 = gather_ops(0)
    gw0.start()
    gt0.start()
    issue_idx_dma(1, 1)

    def chunk_body(c, carry):
        par = lax.rem(c, 2)
        par1 = lax.rem(c + 1, 2)
        rem8 = lax.rem(c, 8)

        @pl.when(rem8 == 0)
        def _():
            doc_gather_op(lax.div(c, 8)).wait()

        gw, gt = gather_ops(par)
        gw.wait()
        gt.wait()

        @pl.when(c >= 2)
        def _():
            out_copy_op(c - 2, par).wait()

        @pl.when(c + 1 < N_CHUNKS)
        def _():
            wait_idx_dma(c + 1, par1)
            ngw, ngt = gather_ops(par1)
            ngw.start()
            ngt.start()

        @pl.when(c + 2 < N_CHUNKS)
        def _():
            issue_idx_dma(c + 2, par)

        wb0 = pl.multiple_of(par * CTXP, CTXP)
        tb0 = pl.multiple_of(par * TNP, TNP)

        def row_body(b, carry2):
            db = rem8 * S + b
            x = [drows[db, pl.ds(v * LANES, LANES)] for v in range(VEC // LANES)]
            wb = wb0 + b * CTX
            for j in range(CTX):
                for v in range(VEC // LANES):
                    x[v] = x[v] + wrows[wb + j, pl.ds(v * LANES, LANES)]
            tb = tb0 + b * NOISE
            bvec = jnp.full((LANES,), par * S + b, jnp.int32)
            for k in range(NOISE):
                p0 = x[0] * otrows[tb + k, pl.ds(0, LANES)]
                p1 = x[1] * otrows[tb + k, pl.ds(LANES, LANES)]
                p2 = x[2] * otrows[tb + k, pl.ds(2 * LANES, LANES)]
                p3 = x[3] * otrows[tb + k, pl.ds(3 * LANES, LANES)]
                cs = plsc.cumsum((p0 + p1) + (p2 + p3))
                plsc.store_scatter(
                    obuf, [bvec, jnp.full((LANES,), k, jnp.int32)], cs,
                    mask=last_lane)
            return carry2

        lax.fori_loop(0, S, row_body, 0)
        out_copy_op(c, par).start()

        @pl.when(jnp.logical_and(rem8 == 7, c + 1 < N_CHUNKS))
        def _():
            doc_gather_op(lax.div(c + 1, 8)).start()

        return carry

    lax.fori_loop(0, N_CHUNKS, chunk_body, 0)
    out_copy_op(N_CHUNKS - 2, 0).wait()
    out_copy_op(N_CHUNKS - 1, 1).wait()


def kernel(context_ids, doc_ids, target_noise_ids, D, W, O):
    nrow = BATCH // S
    ctx2 = context_ids.astype(jnp.int32).reshape(nrow, S * CTX)
    cpad = (jnp.arange(nrow, dtype=jnp.int32)[:, None] * (CTXP - S * CTX)
            + jnp.arange(CTXP - S * CTX, dtype=jnp.int32)[None, :]) % W.shape[0]
    ctx_pad = jnp.concatenate([ctx2, cpad], axis=1).reshape(-1)
    tn2 = target_noise_ids.astype(jnp.int32).reshape(nrow, S * NOISE)
    tpad = (jnp.arange(nrow, dtype=jnp.int32)[:, None] * (TNP - S * NOISE)
            + jnp.arange(TNP - S * NOISE, dtype=jnp.int32)[None, :]) % O.shape[1]
    tn_pad = jnp.concatenate([tn2, tpad], axis=1).reshape(-1)
    ot = jnp.transpose(O)
    return _dm_sc(ctx_pad, doc_ids.astype(jnp.int32), tn_pad, D, W, ot)

# --- scband reference (transcript-rebuilt; emitter-appended) ---
"""Pipeline reference for scband-dm-20942260535952 (READ-ONLY COPY).

The authoritative reference and input builder live on the scoring server;
editing this copy changes nothing except your own understanding.
"""

import jax, jax.numpy as jnp
import numpy as np

VEC_DIM = 64
NUM_DOCS = 100000
NUM_WORDS = 100000
BATCH = 16384
CTX = 20
NOISE = 26


def setup_inputs(seed: int = 0) -> dict:
    key = jax.random.key(seed)
    k1, k2, k3, k4, k5 = jax.random.split(key, 5)
    context_ids = jax.random.randint(k1, (BATCH, CTX), 0, NUM_WORDS, dtype=jnp.int64) if jax.config.jax_enable_x64 else jax.random.randint(k1, (BATCH, CTX), 0, NUM_WORDS).astype(jnp.int32)
    doc_ids = jax.random.randint(k2, (BATCH,), 0, NUM_DOCS).astype(jnp.int32)
    target_noise_ids = jax.random.randint(k3, (BATCH, NOISE), 0, NUM_WORDS).astype(jnp.int32)
    D = jax.random.normal(k4, (NUM_DOCS, VEC_DIM), dtype=jnp.float32)
    W = jax.random.normal(k5, (NUM_WORDS, VEC_DIM), dtype=jnp.float32)
    O = jnp.zeros((VEC_DIM, NUM_WORDS), dtype=jnp.float32)
    return {"context_ids": context_ids.astype(jnp.int32), "doc_ids": doc_ids, "target_noise_ids": target_noise_ids, "D": D, "W": W, "O": O}


def reference(context_ids, doc_ids, target_noise_ids, D, W, O):
    # x = D[doc_ids] + sum_j W[context_ids[:, j]]
    d_vec = jnp.take(D, doc_ids, axis=0)                    # (B, vec_dim)
    w_ctx = jnp.take(W, context_ids, axis=0)                # (B, CTX, vec_dim)
    x = d_vec + jnp.sum(w_ctx, axis=1)                      # (B, vec_dim)
    # O[:, target_noise_ids] -> (vec_dim, B, NOISE); permute to (B, vec_dim, NOISE)
    o_g = jnp.take(O, target_noise_ids, axis=1)             # (vec_dim, B, NOISE)
    o_g = jnp.transpose(o_g, (1, 0, 2))                     # (B, vec_dim, NOISE)
    # bmm(x.unsqueeze(1), o_g).squeeze() -> (B, NOISE)
    out = jnp.einsum('bd,bdk->bk', x, o_g)
    return out

if __name__ == "__main__":
    import jax
    _d = setup_inputs()
    print(jax.jit(kernel)(*tuple(_d.values())))

</pallas_src>

<mosaic_0001>
#map = affine_map<(d0, d1) -> (0)>
#map1 = affine_map<(d0, d1) -> (0, 0)>
module attributes {stable_mosaic.version = 14 : i64} {
  func.func @_dm_sc(%arg0: i32, %arg1: i32, %arg2: memref<393216xi32, #tpu.memory_space<hbm>>, %arg3: memref<16384xi32, #tpu.memory_space<hbm>>, %arg4: memref<524288xi32, #tpu.memory_space<hbm>>, %arg5: memref<100000x64xf32, #tpu.memory_space<hbm>>, %arg6: memref<100000x64xf32, #tpu.memory_space<hbm>>, %arg7: memref<100000x64xf32, #tpu.memory_space<hbm>>, %arg8: memref<16384x26xf32, #tpu.memory_space<hbm>>, %arg9: memref<768xi32, #tpu.memory_space<vmem>>, %arg10: memref<512xi32, #tpu.memory_space<vmem>>, %arg11: memref<1024xi32, #tpu.memory_space<vmem>>, %arg12: memref<768x64xf32, #tpu.memory_space<vmem>>, %arg13: memref<128x64xf32, #tpu.memory_space<vmem>>, %arg14: memref<1024x64xf32, #tpu.memory_space<vmem>>, %arg15: memref<32x26xf32, #tpu.memory_space<vmem>>, %arg16: memref<!tpu.dma_semaphore, #tpu.memory_space<semaphore_mem>>, %arg17: memref<!tpu.dma_semaphore, #tpu.memory_space<semaphore_mem>>, %arg18: memref<!tpu.dma_semaphore, #tpu.memory_space<semaphore_mem>>, %arg19: memref<!tpu.dma_semaphore, #tpu.memory_space<semaphore_mem>>) attributes {dimension_semantics = [#tpu.dimension_semantics<core_parallel>, #tpu.dimension_semantics<subcore_parallel>], iteration_bounds = array<i64: 2, 16>, scalar_prefetch = 0 : i64, scratch_operands = 11 : i64, tpu.core_type = #tpu.core_type<sc_vector_subcore>, window_params = [{transform_indices = #map}, {transform_indices = #map}, {transform_indices = #map}, {transform_indices = #map1}, {transform_indices = #map1}, {transform_indices = #map1}, {transform_indices = #map1}]} {
    %mul3A = arith.constant 2 : i32
    %mul3A_0 = arith.muli %arg1, %mul3A : i32
    %add3A = arith.addi %mul3A_0, %arg0 : i32
    %iota3A = tpu.iota {dimensions = array<i32: 0>} : vector<16xi32>
    %eq3A = arith.constant 15 : i32
    %eq3A_1 = vector.broadcast %eq3A : i32 to vector<16xi32>
    %eq3A_2 = arith.cmpi eq, %iota3A, %eq3A_1 : vector<16xi32>
    %mul3A_3 = arith.constant 12288 : i32
    %mul3A_4 = arith.muli %add3A, %mul3A_3 : i32
    %multiple_of3A = tpu.assume_multiple %mul3A_4, 12288 : i32
    %mul3A_5 = arith.constant 16384 : i32
    %mul3A_6 = arith.muli %add3A, %mul3A_5 : i32
    %multiple_of3A_7 = tpu.assume_multiple %mul3A_6, 16384 : i32
    %mul3A_8 = arith.constant 512 : i32
    %mul3A_9 = arith.muli %add3A, %mul3A_8 : i32
    %multiple_of3A_10 = tpu.assume_multiple %mul3A_9, 512 : i32
    "tpu.region"() ({
      %run_scoped3A = tpu.sem_alloc : memref<!tpu.dma_semaphore, #tpu.memory_space<semaphore_mem>>
      %dma_start3A_80 = tpu.memref_slice %arg3[%multiple_of3A_10] : memref<16384xi32, #tpu.memory_space<hbm>> -> memref<512xi32, #tpu.memory_space<hbm>>
      %dma_start3A_81 = tpu.memref_slice %arg3[%multiple_of3A_10] : memref<16384xi32, #tpu.memory_space<hbm>> -> memref<512xi32, #tpu.memory_space<hbm>>
      tpu.enqueue_dma source(%dma_start3A_81 : memref<512xi32, #tpu.memory_space<hbm>>) target(%arg10 : memref<512xi32, #tpu.memory_space<vmem>>) target_semaphore(%run_scoped3A : memref<!tpu.dma_semaphore, #tpu.memory_space<semaphore_mem>>)
      %dma_wait3A_82 = tpu.memref_slice %arg3[%multiple_of3A_10] : memref<16384xi32, #tpu.memory_space<hbm>> -> memref<512xi32, #tpu.memory_space<hbm>>
      %dma_wait3A_83 = tpu.memref_slice %arg3[%multiple_of3A_10] : memref<16384xi32, #tpu.memory_space<hbm>> -> memref<512xi32, #tpu.memory_space<hbm>>
      tpu.wait_dma2 semaphore(%run_scoped3A : memref<!tpu.dma_semaphore, #tpu.memory_space<semaphore_mem>>) src(%dma_wait3A_83 : memref<512xi32, #tpu.memory_space<hbm>>) dst(%arg10 : memref<512xi32, #tpu.memory_space<vmem>>)
      tpu.yield
    }) : () -> ()
    %multiple_of3A_11 = arith.constant 0 : i32
    %multiple_of3A_12 = tpu.assume_multiple %multiple_of3A_11, 128 : i32
    %dma_start3A = tpu.memref_slice %arg10[%multiple_of3A_12] : memref<512xi32, #tpu.memory_space<vmem>> -> memref<128xi32, #tpu.memory_space<vmem>>
    %dma_start3A_13 = arith.constant 0 : i32
    %dma_start3A_14 = arith.constant 0 : i32
    %dma_start3A_15 = tpu.memref_slice %arg5[%dma_start3A_13, %dma_start3A_14] : memref<100000x64xf32, #tpu.memory_space<hbm>> -> memref<100000x64xf32, #tpu.memory_space<hbm>>
    tpu.enqueue_indirect_dma source(%dma_start3A_15 : memref<100000x64xf32, #tpu.memory_space<hbm>>) target(%arg13 : memref<128x64xf32, #tpu.memory_space<vmem>>) offsets(%dma_start3A : memref<128xi32, #tpu.memory_space<vmem>>) semaphore(%arg18 : memref<!tpu.dma_semaphore, #tpu.memory_space<semaphore_mem>>)
    %multiple_of3A_16 = arith.constant 0 : i32
    %multiple_of3A_17 = tpu.assume_multiple %multiple_of3A_16, 384 : i32
    %multiple_of3A_18 = arith.constant 0 : i32
    %multiple_of3A_19 = tpu.assume_multiple %multiple_of3A_18, 512 : i32
    "tpu.region"() ({
      %run_scoped3A = tpu.sem_alloc : memref<!tpu.dma_semaphore, #tpu.memory_space<semaphore_mem>>
      %dma_start3A_80 = tpu.memref_slice %arg9[%multiple_of3A_17] : memref<768xi32, #tpu.memory_space<vmem>> -> memref<384xi32, #tpu.memory_space<vmem>>
      %dma_start3A_81 = tpu.memref_slice %arg2[%multiple_of3A] : memref<393216xi32, #tpu.memory_space<hbm>> -> memref<384xi32, #tpu.memory_space<hbm>>
      %dma_start3A_82 = tpu.memref_slice %arg9[%multiple_of3A_17] : memref<768xi32, #tpu.memory_space<vmem>> -> memref<384xi32, #tpu.memory_space<vmem>>
      %dma_start3A_83 = tpu.memref_slice %arg2[%multiple_of3A] : memref<393216xi32, #tpu.memory_space<hbm>> -> memref<384xi32, #tpu.memory_space<hbm>>
      tpu.enqueue_dma source(%dma_start3A_83 : memref<384xi32, #tpu.memory_space<hbm>>) target(%dma_start3A_82 : memref<384xi32, #tpu.memory_space<vmem>>) target_semaphore(%run_scoped3A : memref<!tpu.dma_semaphore, #tpu.memory_space<semaphore_mem>>)
      %dma_wait3A_84 = tpu.memref_slice %arg9[%multiple_of3A_17] : memref<768xi32, #tpu.memory_space<vmem>> -> memref<384xi32, #tpu.memory_space<vmem>>
      %dma_wait3A_85 = tpu.memref_slice %arg2[%multiple_of3A] : memref<393216xi32, #tpu.memory_space<hbm>> -> memref<384xi32, #tpu.memory_space<hbm>>
      %dma_wait3A_86 = tpu.memref_slice %arg9[%multiple_of3A_17] : memref<768xi32, #tpu.memory_space<vmem>> -> memref<384xi32, #tpu.memory_space<vmem>>
      %dma_wait3A_87 = tpu.memref_slice %arg2[%multiple_of3A] : memref<393216xi32, #tpu.memory_space<hbm>> -> memref<384xi32, #tpu.memory_space<hbm>>
      tpu.wait_dma2 semaphore(%run_scoped3A : memref<!tpu.dma_semaphore, #tpu.memory_space<semaphore_mem>>) src(%dma_wait3A_87 : memref<384xi32, #tpu.memory_space<hbm>>) dst(%dma_wait3A_86 : memref<384xi32, #tpu.memory_space<vmem>>)
      tpu.yield
    }) : () -> ()
    "tpu.region"() ({
      %run_scoped3A = tpu.sem_alloc : memref<!tpu.dma_semaphore, #tpu.memory_space<semaphore_mem>>
      %dma_start3A_80 = tpu.memref_slice %arg11[%multiple_of3A_19] : memref<1024xi32, #tpu.memory_space<vmem>> -> memref<512xi32, #tpu.memory_space<vmem>>
      %dma_start3A_81 = tpu.memref_slice %arg4[%multiple_of3A_7] : memref<524288xi32, #tpu.memory_space<hbm>> -> memref<512xi32, #tpu.memory_space<hbm>>
      %dma_start3A_82 = tpu.memref_slice %arg11[%multiple_of3A_19] : memref<1024xi32, #tpu.memory_space<vmem>> -> memref<512xi32, #tpu.memory_space<vmem>>
      %dma_start3A_83 = tpu.memref_slice %arg4[%multiple_of3A_7] : memref<524288xi32, #tpu.memory_space<hbm>> -> memref<512xi32, #tpu.memory_space<hbm>>
      tpu.enqueue_dma source(%dma_start3A_83 : memref<512xi32, #tpu.memory_space<hbm>>) target(%dma_start3A_82 : memref<512xi32, #tpu.memory_space<vmem>>) target_semaphore(%run_scoped3A : memref<!tpu.dma_semaphore, #tpu.memory_space<semaphore_mem>>)
      %dma_wait3A_84 = tpu.memref_slice %arg11[%multiple_of3A_19] : memref<1024xi32, #tpu.memory_space<vmem>> -> memref<512xi32, #tpu.memory_space<vmem>>
      %dma_wait3A_85 = tpu.memref_slice %arg4[%multiple_of3A_7] : memref<524288xi32, #tpu.memory_space<hbm>> -> memref<512xi32, #tpu.memory_space<hbm>>
      %dma_wait3A_86 = tpu.memref_slice %arg11[%multiple_of3A_19] : memref<1024xi32, #tpu.memory_space<vmem>> -> memref<512xi32, #tpu.memory_space<vmem>>
      %dma_wait3A_87 = tpu.memref_slice %arg4[%multiple_of3A_7] : memref<524288xi32, #tpu.memory_space<hbm>> -> memref<512xi32, #tpu.memory_space<hbm>>
      tpu.wait_dma2 semaphore(%run_scoped3A : memref<!tpu.dma_semaphore, #tpu.memory_space<semaphore_mem>>) src(%dma_wait3A_87 : memref<512xi32, #tpu.memory_space<hbm>>) dst(%dma_wait3A_86 : memref<512xi32, #tpu.memory_space<vmem>>)
      tpu.yield
    }) : () -> ()
    %multiple_of3A_20 = arith.constant 0 : i32
    %multiple_of3A_21 = tpu.assume_multiple %multiple_of3A_20, 384 : i32
    %multiple_of3A_22 = arith.constant 0 : i32
    %multiple_of3A_23 = tpu.assume_multiple %multiple_of3A_22, 512 : i32
    %dma_start3A_24 = arith.constant 0 : i32
    %dma_start3A_25 = tpu.memref_slice %arg12[%multiple_of3A_21, %dma_start3A_24] : memref<768x64xf32, #tpu.memory_space<vmem>> -> memref<384x64xf32, #tpu.memory_space<vmem>>
    %dma_start3A_26 = tpu.memref_slice %arg9[%multiple_of3A_21] : memref<768xi32, #tpu.memory_space<vmem>> -> memref<384xi32, #tpu.memory_space<vmem>>
    %dma_start3A_27 = arith.constant 0 : i32
    %dma_start3A_28 = arith.constant 0 : i32
    %dma_start3A_29 = tpu.memref_slice %arg6[%dma_start3A_27, %dma_start3A_28] : memref<100000x64xf32, #tpu.memory_space<hbm>> -> memref<100000x64xf32, #tpu.memory_space<hbm>>
    tpu.enqueue_indirect_dma source(%dma_start3A_29 : memref<100000x64xf32, #tpu.memory_space<hbm>>) target(%dma_start3A_25 : memref<384x64xf32, #tpu.memory_space<vmem>>) offsets(%dma_start3A_26 : memref<384xi32, #tpu.memory_space<vmem>>) semaphore(%arg16 : memref<!tpu.dma_semaphore, #tpu.memory_space<semaphore_mem>>)
    %dma_start3A_30 = arith.constant 0 : i32
    %dma_start3A_31 = tpu.memref_slice %arg14[%multiple_of3A_23, %dma_start3A_30] : memref<1024x64xf32, #tpu.memory_space<vmem>> -> memref<512x64xf32, #tpu.memory_space<vmem>>
    %dma_start3A_32 = tpu.memref_slice %arg11[%multiple_of3A_23] : memref<1024xi32, #tpu.memory_space<vmem>> -> memref<512xi32, #tpu.memory_space<vmem>>
    %dma_start3A_33 = arith.constant 0 : i32
    %dma_start3A_34 = arith.constant 0 : i32
    %dma_start3A_35 = tpu.memref_slice %arg7[%dma_start3A_33, %dma_start3A_34] : memref<100000x64xf32, #tpu.memory_space<hbm>> -> memref<100000x64xf32, #tpu.memory_space<hbm>>
    tpu.enqueue_indirect_dma source(%dma_start3A_35 : memref<100000x64xf32, #tpu.memory_space<hbm>>) target(%dma_start3A_31 : memref<512x64xf32, #tpu.memory_space<vmem>>) offsets(%dma_start3A_32 : memref<512xi32, #tpu.memory_space<vmem>>) semaphore(%arg16 : memref<!tpu.dma_semaphore, #tpu.memory_space<semaphore_mem>>)
    %multiple_of3A_36 = arith.constant 384 : i32
    %multiple_of3A_37 = tpu.assume_multiple %multiple_of3A_36, 384 : i32
    %multiple_of3A_38 = arith.constant 512 : i32
    %multiple_of3A_39 = tpu.assume_multiple %multiple_of3A_38, 512 : i32
    %add3A_40 = arith.constant 384 : i32
    %add3A_41 = arith.addi %multiple_of3A, %add3A_40 : i32
    %dma_start3A_42 = tpu.memref_slice %arg9[%multiple_of3A_37] : memref<768xi32, #tpu.memory_space<vmem>> -> memref<384xi32, #tpu.memory_space<vmem>>
    %dma_start3A_43 = tpu.memref_slice %arg2[%add3A_41] : memref<393216xi32, #tpu.memory_space<hbm>> -> memref<384xi32, #tpu.memory_space<hbm>>
    %dma_start3A_44 = tpu.memref_slice %arg9[%multiple_of3A_37] : memref<768xi32, #tpu.memory_space<vmem>> -> memref<384xi32, #tpu.memory_space<vmem>>
    %dma_start3A_45 = tpu.memref_slice %arg2[%add3A_41] : memref<393216xi32, #tpu.memory_space<hbm>> -> memref<384xi32, #tpu.memory_space<hbm>>
    tpu.enqueue_dma source(%dma_start3A_45 : memref<384xi32, #tpu.memory_space<hbm>>) target(%dma_start3A_44 : memref<384xi32, #tpu.memory_space<vmem>>) target_semaphore(%arg17 : memref<!tpu.dma_semaphore, #tpu.memory_space<semaphore_mem>>)
    %add3A_46 = arith.constant 512 : i32
    %add3A_47 = arith.addi %multiple_of3A_7, %add3A_46 : i32
    %dma_start3A_48 = tpu.memref_slice %arg11[%multiple_of3A_39] : memref<1024xi32, #tpu.memory_space<vmem>> -> memref<512xi32, #tpu.memory_space<vmem>>
    %dma_start3A_49 = tpu.memref_slice %arg4[%add3A_47] : memref<524288xi32, #tpu.memory_space<hbm>> -> memref<512xi32, #tpu.memory_space<hbm>>
    %dma_start3A_50 = tpu.memref_slice %arg11[%multiple_of3A_39] : memref<1024xi32, #tpu.memory_space<vmem>> -> memref<512xi32, #tpu.memory_space<vmem>>
    %dma_start3A_51 = tpu.memref_slice %arg4[%add3A_47] : memref<524288xi32, #tpu.memory_space<hbm>> -> memref<512xi32, #tpu.memory_space<hbm>>
    tpu.enqueue_dma source(%dma_start3A_51 : memref<512xi32, #tpu.memory_space<hbm>>) target(%dma_start3A_50 : memref<512xi32, #tpu.memory_space<vmem>>) target_semaphore(%arg17 : memref<!tpu.dma_semaphore, #tpu.memory_space<semaphore_mem>>)
    %scan3A = arith.constant 0 : i32
    %scan3A_52 = arith.constant 0 : i32
    %scan3A_53 = arith.constant 32 : i32
    %scan3A_54 = arith.addi %scan3A_52, %scan3A_53 : i32
    %scan3A_55 = arith.constant 1 : i32
    scf.for %scan3A_80 = %scan3A_52 to %scan3A_54 step %scan3A_55  : i32 {
      %rem3A = arith.constant 2 : i32
      %rem3A_81 = arith.remsi %scan3A_80, %rem3A : i32
      %add3A_82 = arith.constant 1 : i32
      %add3A_83 = arith.addi %scan3A_80, %add3A_82 : i32
      %rem3A_84 = arith.constant 2 : i32
      %rem3A_85 = arith.remsi %add3A_83, %rem3A_84 : i32
      %rem3A_86 = arith.constant 8 : i32
      %rem3A_87 = arith.remsi %scan3A_80, %rem3A_86 : i32
      %eq3A_88 = arith.constant 0 : i32
      %eq3A_89 = arith.cmpi eq, %rem3A_87, %eq3A_88 : i32
      %convert_element_type3A = arith.extui %eq3A_89 : i1 to i32
      %cond3A = arith.constant 0 : i32
      %cond3A_90 = arith.cmpi ne, %convert_element_type3A, %cond3A : i32
      scf.if %cond3A_90 {
        %div3A = arith.constant 8 : i32
        %div3A_161 = arith.divsi %scan3A_80, %div3A : i32
        %mul3A_162 = arith.constant 128 : i32
        %mul3A_163 = arith.muli %div3A_161, %mul3A_162 : i32
        %multiple_of3A_164 = tpu.assume_multiple %mul3A_163, 128 : i32
        %dma_wait3A_165 = tpu.memref_slice %arg10[%multiple_of3A_164] : memref<512xi32, #tpu.memory_space<vmem>> -> memref<128xi32, #tpu.memory_space<vmem>>
        %dma_wait3A_166 = arith.constant 0 : i32
        %dma_wait3A_167 = arith.constant 0 : i32
        %dma_wait3A_168 = tpu.memref_slice %arg5[%dma_wait3A_166, %dma_wait3A_167] : memref<100000x64xf32, #tpu.memory_space<hbm>> -> memref<100000x64xf32, #tpu.memory_space<hbm>>
        tpu.wait_indirect_dma semaphore(%arg18 : memref<!tpu.dma_semaphore, #tpu.memory_space<semaphore_mem>>) src(%dma_wait3A_168 : memref<100000x64xf32, #tpu.memory_space<hbm>>) dst(%arg13 : memref<128x64xf32, #tpu.memory_space<vmem>>)
      } else {
      }
      %mul3A_91 = arith.constant 384 : i32
      %mul3A_92 = arith.muli %rem3A_81, %mul3A_91 : i32
      %multiple_of3A_93 = tpu.assume_multiple %mul3A_92, 384 : i32
      %mul3A_94 = arith.constant 512 : i32
      %mul3A_95 = arith.muli %rem3A_81, %mul3A_94 : i32
      %multiple_of3A_96 = tpu.assume_multiple %mul3A_95, 512 : i32
      %dma_wait3A_97 = arith.constant 0 : i32
      %dma_wait3A_98 = tpu.memref_slice %arg12[%multiple_of3A_93, %dma_wait3A_97] : memref<768x64xf32, #tpu.memory_space<vmem>> -> memref<384x64xf32, #tpu.memory_space<vmem>>
      %dma_wait3A_99 = tpu.memref_slice %arg9[%multiple_of3A_93] : memref<768xi32, #tpu.memory_space<vmem>> -> memref<384xi32, #tpu.memory_space<vmem>>
      %dma_wait3A_100 = arith.constant 0 : i32
      %dma_wait3A_101 = arith.constant 0 : i32
      %dma_wait3A_102 = tpu.memref_slice %arg6[%dma_wait3A_100, %dma_wait3A_101] : memref<100000x64xf32, #tpu.memory_space<hbm>> -> memref<100000x64xf32, #tpu.memory_space<hbm>>
      tpu.wait_indirect_dma semaphore(%arg16 : memref<!tpu.dma_semaphore, #tpu.memory_space<semaphore_mem>>) src(%dma_wait3A_102 : memref<100000x64xf32, #tpu.memory_space<hbm>>) dst(%dma_wait3A_98 : memref<384x64xf32, #tpu.memory_space<vmem>>)
      %dma_wait3A_103 = arith.constant 0 : i32
      %dma_wait3A_104 = tpu.memref_slice %arg14[%multiple_of3A_96, %dma_wait3A_103] : memref<1024x64xf32, #tpu.memory_space<vmem>> -> memref<512x64xf32, #tpu.memory_space<vmem>>
      %dma_wait3A_105 = tpu.memref_slice %arg11[%multiple_of3A_96] : memref<1024xi32, #tpu.memory_space<vmem>> -> memref<512xi32, #tpu.memory_space<vmem>>
      %dma_wait3A_106 = arith.constant 0 : i32
      %dma_wait3A_107 = arith.constant 0 : i32
      %dma_wait3A_108 = tpu.memref_slice %arg7[%dma_wait3A_106, %dma_wait3A_107] : memref<100000x64xf32, #tpu.memory_space<hbm>> -> memref<100000x64xf32, #tpu.memory_space<hbm>>
      tpu.wait_indirect_dma semaphore(%arg16 : memref<!tpu.dma_semaphore, #tpu.memory_space<semaphore_mem>>) src(%dma_wait3A_108 : memref<100000x64xf32, #tpu.memory_space<hbm>>) dst(%dma_wait3A_104 : memref<512x64xf32, #tpu.memory_space<vmem>>)
      %ge3A = arith.constant 2 : i32
      %ge3A_109 = arith.cmpi sge, %scan3A_80, %ge3A : i32
      %convert_element_type3A_110 = arith.extui %ge3A_109 : i1 to i32
      %cond3A_111 = arith.constant 0 : i32
      %cond3A_112 = arith.cmpi ne, %convert_element_type3A_110, %cond3A_111 : i32
      scf.if %cond3A_112 {
        %sub3A = arith.constant 2 : i32
        %sub3A_161 = arith.subi %scan3A_80, %sub3A : i32
        %mul3A_162 = arith.constant 16 : i32
        %mul3A_163 = arith.muli %rem3A_81, %mul3A_162 : i32
        %multiple_of3A_164 = tpu.assume_multiple %mul3A_163, 16 : i32
        %mul3A_165 = arith.constant 16 : i32
        %mul3A_166 = arith.muli %sub3A_161, %mul3A_165 : i32
        %add3A_167 = arith.addi %multiple_of3A_10, %mul3A_166 : i32
        %dma_wait3A_168 = arith.constant 0 : i32
        %dma_wait3A_169 = tpu.memref_slice %arg15[%multiple_of3A_164, %dma_wait3A_168] : memref<32x26xf32, #tpu.memory_space<vmem>> -> memref<16x26xf32, #tpu.memory_space<vmem>>
        %dma_wait3A_170 = arith.constant 0 : i32
        %dma_wait3A_171 = tpu.memref_slice %arg8[%add3A_167, %dma_wait3A_170] : memref<16384x26xf32, #tpu.memory_space<hbm>> -> memref<16x26xf32, #tpu.memory_space<hbm>>
        %dma_wait3A_172 = arith.constant 0 : i32
        %dma_wait3A_173 = tpu.memref_slice %arg8[%add3A_167, %dma_wait3A_172] : memref<16384x26xf32, #tpu.memory_space<hbm>> -> memref<16x26xf32, #tpu.memory_space<hbm>>
        %dma_wait3A_174 = arith.constant 0 : i32
        %dma_wait3A_175 = tpu.memref_slice %arg15[%multiple_of3A_164, %dma_wait3A_174] : memref<32x26xf32, #tpu.memory_space<vmem>> -> memref<16x26xf32, #tpu.memory_space<vmem>>
        tpu.wait_dma2 semaphore(%arg19 : memref<!tpu.dma_semaphore, #tpu.memory_space<semaphore_mem>>) src(%dma_wait3A_175 : memref<16x26xf32, #tpu.memory_space<vmem>>) dst(%dma_wait3A_173 : memref<16x26xf32, #tpu.memory_space<hbm>>)
      } else {
      }
      %add3A_113 = arith.constant 1 : i32
      %add3A_114 = arith.addi %scan3A_80, %add3A_113 : i32
      %lt3A = arith.constant 32 : i32
      %lt3A_115 = arith.cmpi slt, %add3A_114, %lt3A : i32
      %convert_element_type3A_116 = arith.extui %lt3A_115 : i1 to i32
      %cond3A_117 = arith.constant 0 : i32
      %cond3A_118 = arith.cmpi ne, %convert_element_type3A_116, %cond3A_117 : i32
      scf.if %cond3A_118 {
        %add3A_161 = arith.constant 1 : i32
        %add3A_162 = arith.addi %scan3A_80, %add3A_161 : i32
        %mul3A_163 = arith.constant 384 : i32
        %mul3A_164 = arith.muli %rem3A_85, %mul3A_163 : i32
        %multiple_of3A_165 = tpu.assume_multiple %mul3A_164, 384 : i32
        %mul3A_166 = arith.constant 512 : i32
        %mul3A_167 = arith.muli %rem3A_85, %mul3A_166 : i32
        %multiple_of3A_168 = tpu.assume_multiple %mul3A_167, 512 : i32
        %mul3A_169 = arith.constant 384 : i32
        %mul3A_170 = arith.muli %add3A_162, %mul3A_169 : i32
        %add3A_171 = arith.addi %multiple_of3A, %mul3A_170 : i32
        %dma_wait3A_172 = tpu.memref_slice %arg9[%multiple_of3A_165] : memref<768xi32, #tpu.memory_space<vmem>> -> memref<384xi32, #tpu.memory_space<vmem>>
        %dma_wait3A_173 = tpu.memref_slice %arg2[%add3A_171] : memref<393216xi32, #tpu.memory_space<hbm>> -> memref<384xi32, #tpu.memory_space<hbm>>
        %dma_wait3A_174 = tpu.memref_slice %arg9[%multiple_of3A_165] : memref<768xi32, #tpu.memory_space<vmem>> -> memref<384xi32, #tpu.memory_space<vmem>>
        %dma_wait3A_175 = tpu.memref_slice %arg2[%add3A_171] : memref<393216xi32, #tpu.memory_space<hbm>> -> memref<384xi32, #tpu.memory_space<hbm>>
        tpu.wait_dma2 semaphore(%arg17 : memref<!tpu.dma_semaphore, #tpu.memory_space<semaphore_mem>>) src(%dma_wait3A_175 : memref<384xi32, #tpu.memory_space<hbm>>) dst(%dma_wait3A_174 : memref<384xi32, #tpu.memory_space<vmem>>)
        %mul3A_176 = arith.constant 512 : i32
        %mul3A_177 = arith.muli %add3A_162, %mul3A_176 : i32
        %add3A_178 = arith.addi %multiple_of3A_7, %mul3A_177 : i32
        %dma_wait3A_179 = tpu.memref_slice %arg11[%multiple_of3A_168] : memref<1024xi32, #tpu.memory_space<vmem>> -> memref<512xi32, #tpu.memory_space<vmem>>
        %dma_wait3A_180 = tpu.memref_slice %arg4[%add3A_178] : memref<524288xi32, #tpu.memory_space<hbm>> -> memref<512xi32, #tpu.memory_space<hbm>>
        %dma_wait3A_181 = tpu.memref_slice %arg11[%multiple_of3A_168] : memref<1024xi32, #tpu.memory_space<vmem>> -> memref<512xi32, #tpu.memory_space<vmem>>
        %dma_wait3A_182 = tpu.memref_slice %arg4[%add3A_178] : memref<524288xi32, #tpu.memory_space<hbm>> -> memref<512xi32, #tpu.memory_space<hbm>>
        tpu.wait_dma2 semaphore(%arg17 : memref<!tpu.dma_semaphore, #tpu.memory_space<semaphore_mem>>) src(%dma_wait3A_182 : memref<512xi32, #tpu.memory_space<hbm>>) dst(%dma_wait3A_181 : memref<512xi32, #tpu.memory_space<vmem>>)
        %mul3A_183 = arith.constant 384 : i32
        %mul3A_184 = arith.muli %rem3A_85, %mul3A_183 : i32
        %multiple_of3A_185 = tpu.assume_multiple %mul3A_184, 384 : i32
        %mul3A_186 = arith.constant 512 : i32
        %mul3A_187 = arith.muli %rem3A_85, %mul3A_186 : i32
        %multiple_of3A_188 = tpu.assume_multiple %mul3A_187, 512 : i32
        %dma_start3A_189 = arith.constant 0 : i32
        %dma_start3A_190 = tpu.memref_slice %arg12[%multiple_of3A_185, %dma_start3A_189] : memref<768x64xf32, #tpu.memory_space<vmem>> -> memref<384x64xf32, #tpu.memory_space<vmem>>
        %dma_start3A_191 = tpu.memref_slice %arg9[%multiple_of3A_185] : memref<768xi32, #tpu.memory_space<vmem>> -> memref<384xi32, #tpu.memory_space<vmem>>
        %dma_start3A_192 = arith.constant 0 : i32
        %dma_start3A_193 = arith.constant 0 : i32
        %dma_start3A_194 = tpu.memref_slice %arg6[%dma_start3A_192, %dma_start3A_193] : memref<100000x64xf32, #tpu.memory_space<hbm>> -> memref<100000x64xf32, #tpu.memory_space<hbm>>
        tpu.enqueue_indirect_dma source(%dma_start3A_194 : memref<100000x64xf32, #tpu.memory_space<hbm>>) target(%dma_start3A_190 : memref<384x64xf32, #tpu.memory_space<vmem>>) offsets(%dma_start3A_191 : memref<384xi32, #tpu.memory_space<vmem>>) semaphore(%arg16 : memref<!tpu.dma_semaphore, #tpu.memory_space<semaphore_mem>>)
        %dma_start3A_195 = arith.constant 0 : i32
        %dma_start3A_196 = tpu.memref_slice %arg14[%multiple_of3A_188, %dma_start3A_195] : memref<1024x64xf32, #tpu.memory_space<vmem>> -> memref<512x64xf32, #tpu.memory_space<vmem>>
        %dma_start3A_197 = tpu.memref_slice %arg11[%multiple_of3A_188] : memref<1024xi32, #tpu.memory_space<vmem>> -> memref<512xi32, #tpu.memory_space<vmem>>
        %dma_start3A_198 = arith.constant 0 : i32
        %dma_start3A_199 = arith.constant 0 : i32
        %dma_start3A_200 = tpu.memref_slice %arg7[%dma_start3A_198, %dma_start3A_199] : memref<100000x64xf32, #tpu.memory_space<hbm>> -> memref<100000x64xf32, #tpu.memory_space<hbm>>
        tpu.enqueue_indirect_dma source(%dma_start3A_200 : memref<100000x64xf32, #tpu.memory_space<hbm>>) target(%dma_start3A_196 : memref<512x64xf32, #tpu.memory_space<vmem>>) offsets(%dma_start3A_197 : memref<512xi32, #tpu.memory_space<vmem>>) semaphore(%arg16 : memref<!tpu.dma_semaphore, #tpu.memory_space<semaphore_mem>>)
      } else {
      }
      %add3A_119 = arith.constant 2 : i32
      %add3A_120 = arith.addi %scan3A_80, %add3A_119 : i32
      %lt3A_121 = arith.constant 32 : i32
      %lt3A_122 = arith.cmpi slt, %add3A_120, %lt3A_121 : i32
      %convert_element_type3A_123 = arith.extui %lt3A_122 : i1 to i32
      %cond3A_124 = arith.constant 0 : i32
      %cond3A_125 = arith.cmpi ne, %convert_element_type3A_123, %cond3A_124 : i32
      scf.if %cond3A_125 {
        %add3A_161 = arith.constant 2 : i32
        %add3A_162 = arith.addi %scan3A_80, %add3A_161 : i32
        %mul3A_163 = arith.constant 384 : i32
        %mul3A_164 = arith.muli %rem3A_81, %mul3A_163 : i32
        %multiple_of3A_165 = tpu.assume_multiple %mul3A_164, 384 : i32
        %mul3A_166 = arith.constant 512 : i32
        %mul3A_167 = arith.muli %rem3A_81, %mul3A_166 : i32
        %multiple_of3A_168 = tpu.assume_multiple %mul3A_167, 512 : i32
        %mul3A_169 = arith.constant 384 : i32
        %mul3A_170 = arith.muli %add3A_162, %mul3A_169 : i32
        %add3A_171 = arith.addi %multiple_of3A, %mul3A_170 : i32
        %dma_start3A_172 = tpu.memref_slice %arg9[%multiple_of3A_165] : memref<768xi32, #tpu.memory_space<vmem>> -> memref<384xi32, #tpu.memory_space<vmem>>
        %dma_start3A_173 = tpu.memref_slice %arg2[%add3A_171] : memref<393216xi32, #tpu.memory_space<hbm>> -> memref<384xi32, #tpu.memory_space<hbm>>
        %dma_start3A_174 = tpu.memref_slice %arg9[%multiple_of3A_165] : memref<768xi32, #tpu.memory_space<vmem>> -> memref<384xi32, #tpu.memory_space<vmem>>
        %dma_start3A_175 = tpu.memref_slice %arg2[%add3A_171] : memref<393216xi32, #tpu.memory_space<hbm>> -> memref<384xi32, #tpu.memory_space<hbm>>
        tpu.enqueue_dma source(%dma_start3A_175 : memref<384xi32, #tpu.memory_space<hbm>>) target(%dma_start3A_174 : memref<384xi32, #tpu.memory_space<vmem>>) target_semaphore(%arg17 : memref<!tpu.dma_semaphore, #tpu.memory_space<semaphore_mem>>)
        %mul3A_176 = arith.constant 512 : i32
        %mul3A_177 = arith.muli %add3A_162, %mul3A_176 : i32
        %add3A_178 = arith.addi %multiple_of3A_7, %mul3A_177 : i32
        %dma_start3A_179 = tpu.memref_slice %arg11[%multiple_of3A_168] : memref<1024xi32, #tpu.memory_space<vmem>> -> memref<512xi32, #tpu.memory_space<vmem>>
        %dma_start3A_180 = tpu.memref_slice %arg4[%add3A_178] : memref<524288xi32, #tpu.memory_space<hbm>> -> memref<512xi32, #tpu.memory_space<hbm>>
        %dma_start3A_181 = tpu.memref_slice %arg11[%multiple_of3A_168] : memref<1024xi32, #tpu.memory_space<vmem>> -> memref<512xi32, #tpu.memory_space<vmem>>
        %dma_start3A_182 = tpu.memref_slice %arg4[%add3A_178] : memref<524288xi32, #tpu.memory_space<hbm>> -> memref<512xi32, #tpu.memory_space<hbm>>
        tpu.enqueue_dma source(%dma_start3A_182 : memref<512xi32, #tpu.memory_space<hbm>>) target(%dma_start3A_181 : memref<512xi32, #tpu.memory_space<vmem>>) target_semaphore(%arg17 : memref<!tpu.dma_semaphore, #tpu.memory_space<semaphore_mem>>)
      } else {
      }
      %mul3A_126 = arith.constant 384 : i32
      %mul3A_127 = arith.muli %rem3A_81, %mul3A_126 : i32
      %multiple_of3A_128 = tpu.assume_multiple %mul3A_127, 384 : i32
      %mul3A_129 = arith.constant 512 : i32
      %mul3A_130 = arith.muli %rem3A_81, %mul3A_129 : i32
      %multiple_of3A_131 = tpu.assume_multiple %mul3A_130, 512 : i32
      %scan3A_132 = arith.constant 0 : i32
      %scan3A_133 = arith.constant 0 : i32
      %scan3A_134 = arith.constant 16 : i32
      %scan3A_135 = arith.addi %scan3A_133, %scan3A_134 : i32
      %scan3A_136 = arith.constant 1 : i32
      scf.for %scan3A_161 = %scan3A_133 to %scan3A_135 step %scan3A_136  : i32 {
        %mul3A_162 = arith.constant 16 : i32
        %mul3A_163 = arith.muli %rem3A_87, %mul3A_162 : i32
        %add3A_164 = arith.addi %mul3A_163, %scan3A_161 : i32
        %get3A = arith.index_cast %add3A_164 : i32 to index
        %get3A_165 = arith.constant 0 : index
        %get3A_166 = tpu.vector_load %arg13[%get3A, %get3A_165] {strides = array<i32>} : memref<128x64xf32, #tpu.memory_space<vmem>>, vector<16xf32>,
        %get3A_167 = arith.index_cast %add3A_164 : i32 to index
        %get3A_168 = arith.constant 16 : index
        %get3A_169 = tpu.vector_load %arg13[%get3A_167, %get3A_168] {strides = array<i32>} : memref<128x64xf32, #tpu.memory_space<vmem>>, vector<16xf32>,
        %get3A_170 = arith.index_cast %add3A_164 : i32 to index
        %get3A_171 = arith.constant 32 : index
        %get3A_172 = tpu.vector_load %arg13[%get3A_170, %get3A_171] {strides = array<i32>} : memref<128x64xf32, #tpu.memory_space<vmem>>, vector<16xf32>,
        %get3A_173 = arith.index_cast %add3A_164 : i32 to index
        %get3A_174 = arith.constant 48 : index
        %get3A_175 = tpu.vector_load %arg13[%get3A_173, %get3A_174] {strides = array<i32>} : memref<128x64xf32, #tpu.memory_space<vmem>>, vector<16xf32>,
        %mul3A_176 = arith.constant 20 : i32
        %mul3A_177 = arith.muli %scan3A_161, %mul3A_176 : i32
        %add3A_178 = arith.addi %multiple_of3A_128, %mul3A_177 : i32
        %add3A_179 = arith.constant 0 : i32
        %add3A_180 = arith.addi %add3A_178, %add3A_179 : i32
        %get3A_181 = arith.index_cast %add3A_180 : i32 to index
        %get3A_182 = arith.constant 0 : index
        %get3A_183 = tpu.vector_load %arg12[%get3A_181, %get3A_182] {strides = array<i32>} : memref<768x64xf32, #tpu.memory_space<vmem>>, vector<16xf32>,
        %add3A_184 = arith.addf %get3A_166, %get3A_183 : vector<16xf32>
        %add3A_185 = arith.constant 0 : i32
        %add3A_186 = arith.addi %add3A_178, %add3A_185 : i32
        %get3A_187 = arith.index_cast %add3A_186 : i32 to index
        %get3A_188 = arith.constant 16 : index
        %get3A_189 = tpu.vector_load %arg12[%get3A_187, %get3A_188] {strides = array<i32>} : memref<768x64xf32, #tpu.memory_space<vmem>>, vector<16xf32>,
        %add3A_190 = arith.addf %get3A_169, %get3A_189 : vector<16xf32>
        %add3A_191 = arith.constant 0 : i32
        %add3A_192 = arith.addi %add3A_178, %add3A_191 : i32
        %get3A_193 = arith.index_cast %add3A_192 : i32 to index
        %get3A_194 = arith.constant 32 : index
        %get3A_195 = tpu.vector_load %arg12[%get3A_193, %get3A_194] {strides = array<i32>} : memref<768x64xf32, #tpu.memory_space<vmem>>, vector<16xf32>,
        %add3A_196 = arith.addf %get3A_172, %get3A_195 : vector<16xf32>
        %add3A_197 = arith.constant 0 : i32
        %add3A_198 = arith.addi %add3A_178, %add3A_197 : i32
        %get3A_199 = arith.index_cast %add3A_198 : i32 to index
        %get3A_200 = arith.constant 48 : index
        %get3A_201 = tpu.vector_load %arg12[%get3A_199, %get3A_200] {strides = array<i32>} : memref<768x64xf32, #tpu.memory_space<vmem>>, vector<16xf32>,
        %add3A_202 = arith.addf %get3A_175, %get3A_201 : vector<16xf32>
        %add3A_203 = arith.constant 1 : i32
        %add3A_204 = arith.addi %add3A_178, %add3A_203 : i32
        %get3A_205 = arith.index_cast %add3A_204 : i32 to index
        %get3A_206 = arith.constant 0 : index
        %get3A_207 = tpu.vector_load %arg12[%get3A_205, %get3A_206] {strides = array<i32>} : memref<768x64xf32, #tpu.memory_space<vmem>>, vector<16xf32>,
        %add3A_208 = arith.addf %add3A_184, %get3A_207 : vector<16xf32>
        %add3A_209 = arith.constant 1 : i32
        %add3A_210 = arith.addi %add3A_178, %add3A_209 : i32
        %get3A_211 = arith.index_cast %add3A_210 : i32 to index
        %get3A_212 = arith.constant 16 : index
        %get3A_213 = tpu.vector_load %arg12[%get3A_211, %get3A_212] {strides = array<i32>} : memref<768x64xf32, #tpu.memory_space<vmem>>, vector<16xf32>,
        %add3A_214 = arith.addf %add3A_190, %get3A_213 : vector<16xf32>
        %add3A_215 = arith.constant 1 : i32
        %add3A_216 = arith.addi %add3A_178, %add3A_215 : i32
        %get3A_217 = arith.index_cast %add3A_216 : i32 to index
        %get3A_218 = arith.constant 32 : index
        %get3A_219 = tpu.vector_load %arg12[%get3A_217, %get3A_218] {strides = array<i32>} : memref<768x64xf32, #tpu.memory_space<vmem>>, vector<16xf32>,
        %add3A_220 = arith.addf %add3A_196, %get3A_219 : vector<16xf32>
        %add3A_221 = arith.constant 1 : i32
        %add3A_222 = arith.addi %add3A_178, %add3A_221 : i32
        %get3A_223 = arith.index_cast %add3A_222 : i32 to index
        %get3A_224 = arith.constant 48 : index
        %get3A_225 = tpu.vector_load %arg12[%get3A_223, %get3A_224] {strides = array<i32>} : memref<768x64xf32, #tpu.memory_space<vmem>>, vector<16xf32>,
        %add3A_226 = arith.addf %add3A_202, %get3A_225 : vector<16xf32>
        %add3A_227 = arith.constant 2 : i32
        %add3A_228 = arith.addi %add3A_178, %add3A_227 : i32
        %get3A_229 = arith.index_cast %add3A_228 : i32 to index
        %get3A_230 = arith.constant 0 : index
        %get3A_231 = tpu.vector_load %arg12[%get3A_229, %get3A_230] {strides = array<i32>} : memref<768x64xf32, #tpu.memory_space<vmem>>, vector<16xf32>,
        %add3A_232 = arith.addf %add3A_208, %get3A_231 : vector<16xf32>
        %add3A_233 = arith.constant 2 : i32
        %add3A_234 = arith.addi %add3A_178, %add3A_233 : i32
        %get3A_235 = arith.index_cast %add3A_234 : i32 to index
        %get3A_236 = arith.constant 16 : index
        %get3A_237 = tpu.vector_load %arg12[%get3A_235, %get3A_236] {strides = array<i32>} : memref<768x64xf32, #tpu.memory_space<vmem>>, vector<16xf32>,
        %add3A_238 = arith.addf %add3A_214, %get3A_237 : vector<16xf32>
        %add3A_239 = arith.constant 2 : i32
        %add3A_240 = arith.addi %add3A_178, %add3A_239 : i32
        %get3A_241 = arith.index_cast %add3A_240 : i32 to index
        %get3A_242 = arith.constant 32 : index
        %get3A_243 = tpu.vector_load %arg12[%get3A_241, %get3A_242] {strides = array<i32>} : memref<768x64xf32, #tpu.memory_space<vmem>>, vector<16xf32>,
        %add3A_244 = arith.addf %add3A_220, %get3A_243 : vector<16xf32>
        %add3A_245 = arith.constant 2 : i32
        %add3A_246 = arith.addi %add3A_178, %add3A_245 : i32
        %get3A_247 = arith.index_cast %add3A_246 : i32 to index
        %get3A_248 = arith.constant 48 : index
        %get3A_249 = tpu.vector_load %arg12[%get3A_247, %get3A_248] {strides = array<i32>} : memref<768x64xf32, #tpu.memory_space<vmem>>, vector<16xf32>,
        %add3A_250 = arith.addf %add3A_226, %get3A_249 : vector<16xf32>
        %add3A_251 = arith.constant 3 : i32
        %add3A_252 = arith.addi %add3A_178, %add3A_251 : i32
        %get3A_253 = arith.index_cast %add3A_252 : i32 to index
        %get3A_254 = arith.constant 0 : index
        %get3A_255 = tpu.vector_load %arg12[%get3A_253, %get3A_254] {strides = array<i32>} : memref<768x64xf32, #tpu.memory_space<vmem>>, vector<16xf32>,
        %add3A_256 = arith.addf %add3A_232, %get3A_255 : vector<16xf32>
        %add3A_257 = arith.constant 3 : i32
        %add3A_258 = arith.addi %add3A_178, %add3A_257 : i32
        %get3A_259 = arith.index_cast %add3A_258 : i32 to index
        %get3A_260 = arith.constant 16 : index
        %get3A_261 = tpu.vector_load %arg12[%get3A_259, %get3A_260] {strides = array<i32>} : memref<768x64xf32, #tpu.memory_space<vmem>>, vector<16xf32>,
        %add3A_262 = arith.addf %add3A_238, %get3A_261 : vector<16xf32>
        %add3A_263 = arith.constant 3 : i32
        %add3A_264 = arith.addi %add3A_178, %add3A_263 : i32
        %get3A_265 = arith.index_cast %add3A_264 : i32 to index
        %get3A_266 = arith.constant 32 : index
        %get3A_267 = tpu.vector_load %arg12[%get3A_265, %get3A_266] {strides = array<i32>} : memref<768x64xf32, #tpu.memory_space<vmem>>, vector<16xf32>,
        %add3A_268 = arith.addf %add3A_244, %get3A_267 : vector<16xf32>
        %add3A_269 = arith.constant 3 : i32
        %add3A_270 = arith.addi %add3A_178, %add3A_269 : i32
        %get3A_271 = arith.index_cast %add3A_270 : i32 to index
        %get3A_272 = arith.constant 48 : index
        %get3A_273 = tpu.vector_load %arg12[%get3A_271, %get3A_272] {strides = array<i32>} : memref<768x64xf32, #tpu.memory_space<vmem>>, vector<16xf32>,
        %add3A_274 = arith.addf %add3A_250, %get3A_273 : vector<16xf32>
        %add3A_275 = arith.constant 4 : i32
        %add3A_276 = arith.addi %add3A_178, %add3A_275 : i32
        %get3A_277 = arith.index_cast %add3A_276 : i32 to index
        %get3A_278 = arith.constant 0 : index
        %get3A_279 = tpu.vector_load %arg12[%get3A_277, %get3A_278] {strides = array<i32>} : memref<768x64xf32, #tpu.memory_space<vmem>>, vector<16xf32>,
        %add3A_280 = arith.addf %add3A_256, %get3A_279 : vector<16xf32>
        %add3A_281 = arith.constant 4 : i32
        %add3A_282 = arith.addi %add3A_178, %add3A_281 : i32
        %get3A_283 = arith.index_cast %add3A_282 : i32 to index
        %get3A_284 = arith.constant 16 : index
        %get3A_285 = tpu.vector_load %arg12[%get3A_283, %get3A_284] {strides = array<i32>} : memref<768x64xf32, #tpu.memory_space<vmem>>, vector<16xf32>,
        %add3A_286 = arith.addf %add3A_262, %get3A_285 : vector<16xf32>
        %add3A_287 = arith.constant 4 : i32
        %add3A_288 = arith.addi %add3A_178, %add3A_287 : i32
        %get3A_289 = arith.index_cast %add3A_288 : i32 to index
        %get3A_290 = arith.constant 32 : index
        %get3A_291 = tpu.vector_load %arg12[%get3A_289, %get3A_290] {strides = array<i32>} : memref<768x64xf32, #tpu.memory_space<vmem>>, vector<16xf32>,
        %add3A_292 = arith.addf %add3A_268, %get3A_291 : vector<16xf32>
        %add3A_293 = arith.constant 4 : i32
        %add3A_294 = arith.addi %add3A_178, %add3A_293 : i32
        %get3A_295 = arith.index_cast %add3A_294 : i32 to index
        %get3A_296 = arith.constant 48 : index
        %get3A_297 = tpu.vector_load %arg12[%get3A_295, %get3A_296] {strides = array<i32>} : memref<768x64xf32, #tpu.memory_space<vmem>>, vector<16xf32>,
        %add3A_298 = arith.addf %add3A_274, %get3A_297 : vector<16xf32>
        %add3A_299 = arith.constant 5 : i32
        %add3A_300 = arith.addi %add3A_178, %add3A_299 : i32
        %get3A_301 = arith.index_cast %add3A_300 : i32 to index
        %get3A_302 = arith.constant 0 : index
        %get3A_303 = tpu.vector_load %arg12[%get3A_301, %get3A_302] {strides = array<i32>} : memref<768x64xf32, #tpu.memory_space<vmem>>, vector<16xf32>,
        %add3A_304 = arith.addf %add3A_280, %get3A_303 : vector<16xf32>
        %add3A_305 = arith.constant 5 : i32
        %add3A_306 = arith.addi %add3A_178, %add3A_305 : i32
        %get3A_307 = arith.index_cast %add3A_306 : i32 to index
        %get3A_308 = arith.constant 16 : index
        %get3A_309 = tpu.vector_load %arg12[%get3A_307, %get3A_308] {strides = array<i32>} : memref<768x64xf32, #tpu.memory_space<vmem>>, vector<16xf32>,
        %add3A_310 = arith.addf %add3A_286, %get3A_309 : vector<16xf32>
        %add3A_311 = arith.constant 5 : i32
        %add3A_312 = arith.addi %add3A_178, %add3A_311 : i32
        %get3A_313 = arith.index_cast %add3A_312 : i32 to index
        %get3A_314 = arith.constant 32 : index
        %get3A_315 = tpu.vector_load %arg12[%get3A_313, %get3A_314] {strides = array<i32>} : memref<768x64xf32, #tpu.memory_space<vmem>>, vector<16xf32>,
        %add3A_316 = arith.addf %add3A_292, %get3A_315 : vector<16xf32>
        %add3A_317 = arith.constant 5 : i32
        %add3A_318 = arith.addi %add3A_178, %add3A_317 : i32
        %get3A_319 = arith.index_cast %add3A_318 : i32 to index
        %get3A_320 = arith.constant 48 : index
        %get3A_321 = tpu.vector_load %arg12[%get3A_319, %get3A_320] {strides = array<i32>} : memref<768x64xf32, #tpu.memory_space<vmem>>, vector<16xf32>,
        %add3A_322 = arith.addf %add3A_298, %get3A_321 : vector<16xf32>
        %add3A_323 = arith.constant 6 : i32
        %add3A_324 = arith.addi %add3A_178, %add3A_323 : i32
        %get3A_325 = arith.index_cast %add3A_324 : i32 to index
        %get3A_326 = arith.constant 0 : index
        %get3A_327 = tpu.vector_load %arg12[%get3A_325, %get3A_326] {strides = array<i32>} : memref<768x64xf32, #tpu.memory_space<vmem>>, vector<16xf32>,
        %add3A_328 = arith.addf %add3A_304, %get3A_327 : vector<16xf32>
        %add3A_329 = arith.constant 6 : i32
        %add3A_330 = arith.addi %add3A_178, %add3A_329 : i32
        %get3A_331 = arith.index_cast %add3A_330 : i32 to index
        %get3A_332 = arith.constant 16 : index
        %get3A_333 = tpu.vector_load %arg12[%get3A_331, %get3A_332] {strides = array<i32>} : memref<768x64xf32, #tpu.memory_space<vmem>>, vector<16xf32>,
        %add3A_334 = arith.addf %add3A_310, %get3A_333 : vector<16xf32>
        %add3A_335 = arith.constant 6 : i32
        %add3A_336 = arith.addi %add3A_178, %add3A_335 : i32
        %get3A_337 = arith.index_cast %add3A_336 : i32 to index
        %get3A_338 = arith.constant 32 : index
        %get3A_339 = tpu.vector_load %arg12[%get3A_337, %get3A_338] {strides = array<i32>} : memref<768x64xf32, #tpu.memory_space<vmem>>, vector<16xf32>,
        %add3A_340 = arith.addf %add3A_316, %get3A_339 : vector<16xf32>
        %add3A_341 = arith.constant 6 : i32
        %add3A_342 = arith.addi %add3A_178, %add3A_341 : i32
        %get3A_343 = arith.index_cast %add3A_342 : i32 to index
        %get3A_344 = arith.constant 48 : index
        %get3A_345 = tpu.vector_load %arg12[%get3A_343, %get3A_344] {strides = array<i32>} : memref<768x64xf32, #tpu.memory_space<vmem>>, vector<16xf32>,
        %add3A_346 = arith.addf %add3A_322, %get3A_345 : vector<16xf32>
        %add3A_347 = arith.constant 7 : i32
        %add3A_348 = arith.addi %add3A_178, %add3A_347 : i32
        %get3A_349 = arith.index_cast %add3A_348 : i32 to index
        %get3A_350 = arith.constant 0 : index
        %get3A_351 = tpu.vector_load %arg12[%get3A_349, %get3A_350] {strides = array<i32>} : memref<768x64xf32, #tpu.memory_space<vmem>>, vector<16xf32>,
        %add3A_352 = arith.addf %add3A_328, %get3A_351 : vector<16xf32>
        %add3A_353 = arith.constant 7 : i32
        %add3A_354 = arith.addi %add3A_178, %add3A_353 : i32
        %get3A_355 = arith.index_cast %add3A_354 : i32 to index
        %get3A_356 = arith.constant 16 : index
        %get3A_357 = tpu.vector_load %arg12[%get3A_355, %get3A_356] {strides = array<i32>} : memref<768x64xf32, #tpu.memory_space<vmem>>, vector<16xf32>,
        %add3A_358 = arith.addf %add3A_334, %get3A_357 : vector<16xf32>
        %add3A_359 = arith.constant 7 : i32
        %add3A_360 = arith.addi %add3A_178, %add3A_359 : i32
        %get3A_361 = arith.index_cast %add3A_360 : i32 to index
        %get3A_362 = arith.constant 32 : index
        %get3A_363 = tpu.vector_load %arg12[%get3A_361, %get3A_362] {strides = array<i32>} : memref<768x64xf32, #tpu.memory_space<vmem>>, vector<16xf32>,
        %add3A_364 = arith.addf %add3A_340, %get3A_363 : vector<16xf32>
        %add3A_365 = arith.constant 7 : i32
        %add3A_366 = arith.addi %add3A_178, %add3A_365 : i32
        %get3A_367 = arith.index_cast %add3A_366 : i32 to index
        %get3A_368 = arith.constant 48 : index
        %get3A_369 = tpu.vector_load %arg12[%get3A_367, %get3A_368] {strides = array<i32>} : memref<768x64xf32, #tpu.memory_space<vmem>>, vector<16xf32>,
        %add3A_370 = arith.addf %add3A_346, %get3A_369 : vector<16xf32>
        %add3A_371 = arith.constant 8 : i32
        %add3A_372 = arith.addi %add3A_178, %add3A_371 : i32
        %get3A_373 = arith.index_cast %add3A_372 : i32 to index
        %get3A_374 = arith.constant 0 : index
        %get3A_375 = tpu.vector_load %arg12[%get3A_373, %get3A_374] {strides = array<i32>} : memref<768x64xf32, #tpu.memory_space<vmem>>, vector<16xf32>,
        %add3A_376 = arith.addf %add3A_352, %get3A_375 : vector<16xf32>
        %add3A_377 = arith.constant 8 : i32
        %add3A_378 = arith.addi %add3A_178, %add3A_377 : i32
        %get3A_379 = arith.index_cast %add3A_378 : i32 to index
        %get3A_380 = arith.constant 16 : index
        %get3A_381 = tpu.vector_load %arg12[%get3A_379, %get3A_380] {strides = array<i32>} : memref<768x64xf32, #tpu.memory_space<vmem>>, vector<16xf32>,
        %add3A_382 = arith.addf %add3A_358, %get3A_381 : vector<16xf32>
        %add3A_383 = arith.constant 8 : i32
        %add3A_384 = arith.addi %add3A_178, %add3A_383 : i32
        %get3A_385 = arith.index_cast %add3A_384 : i32 to index
        %get3A_386 = arith.constant 32 : index
        %get3A_387 = tpu.vector_load %arg12[%get3A_385, %get3A_386] {strides = array<i32>} : memref<768x64xf32, #tpu.memory_space<vmem>>, vector<16xf32>,
        %add3A_388 = arith.addf %add3A_364, %get3A_387 : vector<16xf32>
        %add3A_389 = arith.constant 8 : i32
        %add3A_390 = arith.addi %add3A_178, %add3A_389 : i32
        %get3A_391 = arith.index_cast %add3A_390 : i32 to index
        %get3A_392 = arith.constant 48 : index
        %get3A_393 = tpu.vector_load %arg12[%get3A_391, %get3A_392] {strides = array<i32>} : memref<768x64xf32, #tpu.memory_space<vmem>>, vector<16xf32>,
        %add3A_394 = arith.addf %add3A_370, %get3A_393 : vector<16xf32>
        %add3A_395 = arith.constant 9 : i32
        %add3A_396 = arith.addi %add3A_178, %add3A_395 : i32
        %get3A_397 = arith.index_cast %add3A_396 : i32 to index
        %get3A_398 = arith.constant 0 : index
        %get3A_399 = tpu.vector_load %arg12[%get3A_397, %get3A_398] {strides = array<i32>} : memref<768x64xf32, #tpu.memory_space<vmem>>, vector<16xf32>,
        %add3A_400 = arith.addf %add3A_376, %get3A_399 : vector<16xf32>
        %add3A_401 = arith.constant 9 : i32
        %add3A_402 = arith.addi %add3A_178, %add3A_401 : i32
        %get3A_403 = arith.index_cast %add3A_402 : i32 to index
        %get3A_404 = arith.constant 16 : index
        %get3A_405 = tpu.vector_load %arg12[%get3A_403, %get3A_404] {strides = array<i32>} : memref<768x64xf32, #tpu.memory_space<vmem>>, vector<16xf32>,
        %add3A_406 = arith.addf %add3A_382, %get3A_405 : vector<16xf32>
        %add3A_407 = arith.constant 9 : i32
        %add3A_408 = arith.addi %add3A_178, %add3A_407 : i32
        %get3A_409 = arith.index_cast %add3A_408 : i32 to index
        %get3A_410 = arith.constant 32 : index
        %get3A_411 = tpu.vector_load %arg12[%get3A_409, %get3A_410] {strides = array<i32>} : memref<768x64xf32, #tpu.memory_space<vmem>>, vector<16xf32>,
        %add3A_412 = arith.addf %add3A_388, %get3A_411 : vector<16xf32>
        %add3A_413 = arith.constant 9 : i32
        %add3A_414 = arith.addi %add3A_178, %add3A_413 : i32
        %get3A_415 = arith.index_cast %add3A_414 : i32 to index
        %get3A_416 = arith.constant 48 : index
        %get3A_417 = tpu.vector_load %arg12[%get3A_415, %get3A_416] {strides = array<i32>} : memref<768x64xf32, #tpu.memory_space<vmem>>, vector<16xf32>,
        %add3A_418 = arith.addf %add3A_394, %get3A_417 : vector<16xf32>
        %add3A_419 = arith.constant 10 : i32
        %add3A_420 = arith.addi %add3A_178, %add3A_419 : i32
        %get3A_421 = arith.index_cast %add3A_420 : i32 to index
        %get3A_422 = arith.constant 0 : index
        %get3A_423 = tpu.vector_load %arg12[%get3A_421, %get3A_422] {strides = array<i32>} : memref<768x64xf32, #tpu.memory_space<vmem>>, vector<16xf32>,
        %add3A_424 = arith.addf %add3A_400, %get3A_423 : vector<16xf32>
        %add3A_425 = arith.constant 10 : i32
        %add3A_426 = arith.addi %add3A_178, %add3A_425 : i32
        %get3A_427 = arith.index_cast %add3A_426 : i32 to index
        %get3A_428 = arith.constant 16 : index
        %get3A_429 = tpu.vector_load %arg12[%get3A_427, %get3A_428] {strides = array<i32>} : memref<768x64xf32, #tpu.memory_space<vmem>>, vector<16xf32>,
        %add3A_430 = arith.addf %add3A_406, %get3A_429 : vector<16xf32>
        %add3A_431 = arith.constant 10 : i32
        %add3A_432 = arith.addi %add3A_178, %add3A_431 : i32
        %get3A_433 = arith.index_cast %add3A_432 : i32 to index
        %get3A_434 = arith.constant 32 : index
        %get3A_435 = tpu.vector_load %arg12[%get3A_433, %get3A_434] {strides = array<i32>} : memref<768x64xf32, #tpu.memory_space<vmem>>, vector<16xf32>,
        %add3A_436 = arith.addf %add3A_412, %get3A_435 : vector<16xf32>
        %add3A_437 = arith.constant 10 : i32
        %add3A_438 = arith.addi %add3A_178, %add3A_437 : i32
        %get3A_439 = arith.index_cast %add3A_438 : i32 to index
        %get3A_440 = arith.constant 48 : index
        %get3A_441 = tpu.vector_load %arg12[%get3A_439, %get3A_440] {strides = array<i32>} : memref<768x64xf32, #tpu.memory_space<vmem>>, vector<16xf32>,
        %add3A_442 = arith.addf %add3A_418, %get3A_441 : vector<16xf32>
        %add3A_443 = arith.constant 11 : i32
        %add3A_444 = arith.addi %add3A_178, %add3A_443 : i32
        %get3A_445 = arith.index_cast %add3A_444 : i32 to index
        %get3A_446 = arith.constant 0 : index
        %get3A_447 = tpu.vector_load %arg12[%get3A_445, %get3A_446] {strides = array<i32>} : memref<768x64xf32, #tpu.memory_space<vmem>>, vector<16xf32>,
        %add3A_448 = arith.addf %add3A_424, %get3A_447 : vector<16xf32>
        %add3A_449 = arith.constant 11 : i32
        %add3A_450 = arith.addi %add3A_178, %add3A_449 : i32
        %get3A_451 = arith.index_cast %add3A_450 : i32 to index
        %get3A_452 = arith.constant 16 : index
        %get3A_453 = tpu.vector_load %arg12[%get3A_451, %get3A_452] {strides = array<i32>} : memref<768x64xf32, #tpu.memory_space<vmem>>, vector<16xf32>,
        %add3A_454 = arith.addf %add3A_430, %get3A_453 : vector<16xf32>
        %add3A_455 = arith.constant 11 : i32
        %add3A_456 = arith.addi %add3A_178, %add3A_455 : i32
        %get3A_457 = arith.index_cast %add3A_456 : i32 to index
        %get3A_458 = arith.constant 32 : index
        %get3A_459 = tpu.vector_load %arg12[%get3A_457, %get3A_458] {strides = array<i32>} : memref<768x64xf32, #tpu.memory_space<vmem>>, vector<16xf32>,
        %add3A_460 = arith.addf %add3A_436, %get3A_459 : vector<16xf32>
        %add3A_461 = arith.constant 11 : i32
        %add3A_462 = arith.addi %add3A_178, %add3A_461 : i32
        %get3A_463 = arith.index_cast %add3A_462 : i32 to index
        %get3A_464 = arith.constant 48 : index
        %get3A_465 = tpu.vector_load %arg12[%get3A_463, %get3A_464] {strides = array<i32>} : memref<768x64xf32, #tpu.memory_space<vmem>>, vector<16xf32>,
        %add3A_466 = arith.addf %add3A_442, %get3A_465 : vector<16xf32>
        %add3A_467 = arith.constant 12 : i32
        %add3A_468 = arith.addi %add3A_178, %add3A_467 : i32
        %get3A_469 = arith.index_cast %add3A_468 : i32 to index
        %get3A_470 = arith.constant 0 : index
        %get3A_471 = tpu.vector_load %arg12[%get3A_469, %get3A_470] {strides = array<i32>} : memref<768x64xf32, #tpu.memory_space<vmem>>, vector<16xf32>,
        %add3A_472 = arith.addf %add3A_448, %get3A_471 : vector<16xf32>
        %add3A_473 = arith.constant 12 : i32
        %add3A_474 = arith.addi %add3A_178, %add3A_473 : i32
        %get3A_475 = arith.index_cast %add3A_474 : i32 to index
        %get3A_476 = arith.constant 16 : index
        %get3A_477 = tpu.vector_load %arg12[%get3A_475, %get3A_476] {strides = array<i32>} : memref<768x64xf32, #tpu.memory_space<vmem>>, vector<16xf32>,
        %add3A_478 = arith.addf %add3A_454, %get3A_477 : vector<16xf32>
        %add3A_479 = arith.constant 12 : i32
        %add3A_480 = arith.addi %add3A_178, %add3A_479 : i32
        %get3A_481 = arith.index_cast %add3A_480 : i32 to index
        %get3A_482 = arith.constant 32 : index
        %get3A_483 = tpu.vector_load %arg12[%get3A_481, %get3A_482] {strides = array<i32>} : memref<768x64xf32, #tpu.memory_space<vmem>>, vector<16xf32>,
        %add3A_484 = arith.addf %add3A_460, %get3A_483 : vector<16xf32>
        %add3A_485 = arith.constant 12 : i32
        %add3A_486 = arith.addi %add3A_178, %add3A_485 : i32
        %get3A_487 = arith.index_cast %add3A_486 : i32 to index
        %get3A_488 = arith.constant 48 : index
        %get3A_489 = tpu.vector_load %arg12[%get3A_487, %get3A_488] {strides = array<i32>} : memref<768x64xf32, #tpu.memory_space<vmem>>, vector<16xf32>,
        %add3A_490 = arith.addf %add3A_466, %get3A_489 : vector<16xf32>
        %add3A_491 = arith.constant 13 : i32
        %add3A_492 = arith.addi %add3A_178, %add3A_491 : i32
        %get3A_493 = arith.index_cast %add3A_492 : i32 to index
        %get3A_494 = arith.constant 0 : index
        %get3A_495 = tpu.vector_load %arg12[%get3A_493, %get3A_494] {strides = array<i32>} : memref<768x64xf32, #tpu.memory_space<vmem>>, vector<16xf32>,
        %add3A_496 = arith.addf %add3A_472, %get3A_495 : vector<16xf32>
        %add3A_497 = arith.constant 13 : i32
        %add3A_498 = arith.addi %add3A_178, %add3A_497 : i32
        %get3A_499 = arith.index_cast %add3A_498 : i32 to index
        %get3A_500 = arith.constant 16 : index
        %get3A_501 = tpu.vector_load %arg12[%get3A_499, %get3A_500] {strides = array<i32>} : memref<768x64xf32, #tpu.memory_space<vmem>>, vector<16xf32>,
        %add3A_502 = arith.addf %add3A_478, %get3A_501 : vector<16xf32>
        %add3A_503 = arith.constant 13 : i32
        %add3A_504 = arith.addi %add3A_178, %add3A_503 : i32
        %get3A_505 = arith.index_cast %add3A_504 : i32 to index
        %get3A_506 = arith.constant 32 : index
        %get3A_507 = tpu.vector_load %arg12[%get3A_505, %get3A_506] {strides = array<i32>} : memref<768x64xf32, #tpu.memory_space<vmem>>, vector<16xf32>,
        %add3A_508 = arith.addf %add3A_484, %get3A_507 : vector<16xf32>
        %add3A_509 = arith.constant 13 : i32
        %add3A_510 = arith.addi %add3A_178, %add3A_509 : i32
        %get3A_511 = arith.index_cast %add3A_510 : i32 to index
        %get3A_512 = arith.constant 48 : index
        %get3A_513 = tpu.vector_load %arg12[%get3A_511, %get3A_512] {strides = array<i32>} : memref<768x64xf32, #tpu.memory_space<vmem>>, vector<16xf32>,
        %add3A_514 = arith.addf %add3A_490, %get3A_513 : vector<16xf32>
        %add3A_515 = arith.constant 14 : i32
        %add3A_516 = arith.addi %add3A_178, %add3A_515 : i32
        %get3A_517 = arith.index_cast %add3A_516 : i32 to index
        %get3A_518 = arith.constant 0 : index
        %get3A_519 = tpu.vector_load %arg12[%get3A_517, %get3A_518] {strides = array<i32>} : memref<768x64xf32, #tpu.memory_space<vmem>>, vector<16xf32>,
        %add3A_520 = arith.addf %add3A_496, %get3A_519 : vector<16xf32>
        %add3A_521 = arith.constant 14 : i32
        %add3A_522 = arith.addi %add3A_178, %add3A_521 : i32
        %get3A_523 = arith.index_cast %add3A_522 : i32 to index
        %get3A_524 = arith.constant 16 : index
        %get3A_525 = tpu.vector_load %arg12[%get3A_523, %get3A_524] {strides = array<i32>} : memref<768x64xf32, #tpu.memory_space<vmem>>, vector<16xf32>,
        %add3A_526 = arith.addf %add3A_502, %get3A_525 : vector<16xf32>
        %add3A_527 = arith.constant 14 : i32
        %add3A_528 = arith.addi %add3A_178, %add3A_527 : i32
        %get3A_529 = arith.index_cast %add3A_528 : i32 to index
        %get3A_530 = arith.constant 32 : index
        %get3A_531 = tpu.vector_load %arg12[%get3A_529, %get3A_530] {strides = array<i32>} : memref<768x64xf32, #tpu.memory_space<vmem>>, vector<16xf32>,
        %add3A_532 = arith.addf %add3A_508, %get3A_531 : vector<16xf32>
        %add3A_533 = arith.constant 14 : i32
        %add3A_534 = arith.addi %add3A_178, %add3A_533 : i32
        %get3A_535 = arith.index_cast %add3A_534 : i32 to index
        %get3A_536 = arith.constant 48 : index
        %get3A_537 = tpu.vector_load %arg12[%get3A_535, %get3A_536] {strides = array<i32>} : memref<768x64xf32, #tpu.memory_space<vmem>>, vector<16xf32>,
        %add3A_538 = arith.addf %add3A_514, %get3A_537 : vector<16xf32>
        %add3A_539 = arith.constant 15 : i32
        %add3A_540 = arith.addi %add3A_178, %add3A_539 : i32
        %get3A_541 = arith.index_cast %add3A_540 : i32 to index
        %get3A_542 = arith.constant 0 : index
        %get3A_543 = tpu.vector_load %arg12[%get3A_541, %get3A_542] {strides = array<i32>} : memref<768x64xf32, #tpu.memory_space<vmem>>, vector<16xf32>,
        %add3A_544 = arith.addf %add3A_520, %get3A_543 : vector<16xf32>
        %add3A_545 = arith.constant 15 : i32
        %add3A_546 = arith.addi %add3A_178, %add3A_545 : i32
        %get3A_547 = arith.index_cast %add3A_546 : i32 to index
        %get3A_548 = arith.constant 16 : index
        %get3A_549 = tpu.vector_load %arg12[%get3A_547, %get3A_548] {strides = array<i32>} : memref<768x64xf32, #tpu.memory_space<vmem>>, vector<16xf32>,
        %add3A_550 = arith.addf %add3A_526, %get3A_549 : vector<16xf32>
        %add3A_551 = arith.constant 15 : i32
        %add3A_552 = arith.addi %add3A_178, %add3A_551 : i32
        %get3A_553 = arith.index_cast %add3A_552 : i32 to index
        %get3A_554 = arith.constant 32 : index
        %get3A_555 = tpu.vector_load %arg12[%get3A_553, %get3A_554] {strides = array<i32>} : memref<768x64xf32, #tpu.memory_space<vmem>>, vector<16xf32>,
        %add3A_556 = arith.addf %add3A_532, %get3A_555 : vector<16xf32>
        %add3A_557 = arith.constant 15 : i32
        %add3A_558 = arith.addi %add3A_178, %add3A_557 : i32
        %get3A_559 = arith.index_cast %add3A_558 : i32 to index
        %get3A_560 = arith.constant 48 : index
        %get3A_561 = tpu.vector_load %arg12[%get3A_559, %get3A_560] {strides = array<i32>} : memref<768x64xf32, #tpu.memory_space<vmem>>, vector<16xf32>,
        %add3A_562 = arith.addf %add3A_538, %get3A_561 : vector<16xf32>
        %add3A_563 = arith.constant 16 : i32
        %add3A_564 = arith.addi %add3A_178, %add3A_563 : i32
        %get3A_565 = arith.index_cast %add3A_564 : i32 to index
        %get3A_566 = arith.constant 0 : index
        %get3A_567 = tpu.vector_load %arg12[%get3A_565, %get3A_566] {strides = array<i32>} : memref<768x64xf32, #tpu.memory_space<vmem>>, vector<16xf32>,
        %add3A_568 = arith.addf %add3A_544, %get3A_567 : vector<16xf32>
        %add3A_569 = arith.constant 16 : i32
        %add3A_570 = arith.addi %add3A_178, %add3A_569 : i32
        %get3A_571 = arith.index_cast %add3A_570 : i32 to index
        %get3A_572 = arith.constant 16 : index
        %get3A_573 = tpu.vector_load %arg12[%get3A_571, %get3A_572] {strides = array<i32>} : memref<768x64xf32, #tpu.memory_space<vmem>>, vector<16xf32>,
        %add3A_574 = arith.addf %add3A_550, %get3A_573 : vector<16xf32>
        %add3A_575 = arith.constant 16 : i32
        %add3A_576 = arith.addi %add3A_178, %add3A_575 : i32
        %get3A_577 = arith.index_cast %add3A_576 : i32 to index
        %get3A_578 = arith.constant 32 : index
        %get3A_579 = tpu.vector_load %arg12[%get3A_577, %get3A_578] {strides = array<i32>} : memref<768x64xf32, #tpu.memory_space<vmem>>, vector<16xf32>,
        %add3A_580 = arith.addf %add3A_556, %get3A_579 : vector<16xf32>
        %add3A_581 = arith.constant 16 : i32
        %add3A_582 = arith.addi %add3A_178, %add3A_581 : i32
        %get3A_583 = arith.index_cast %add3A_582 : i32 to index
        %get3A_584 = arith.constant 48 : index
        %get3A_585 = tpu.vector_load %arg12[%get3A_583, %get3A_584] {strides = array<i32>} : memref<768x64xf32, #tpu.memory_space<vmem>>, vector<16xf32>,
        %add3A_586 = arith.addf %add3A_562, %get3A_585 : vector<16xf32>
        %add3A_587 = arith.constant 17 : i32
        %add3A_588 = arith.addi %add3A_178, %add3A_587 : i32
        %get3A_589 = arith.index_cast %add3A_588 : i32 to index
        %get3A_590 = arith.constant 0 : index
        %get3A_591 = tpu.vector_load %arg12[%get3A_589, %get3A_590] {strides = array<i32>} : memref<768x64xf32, #tpu.memory_space<vmem>>, vector<16xf32>,
        %add3A_592 = arith.addf %add3A_568, %get3A_591 : vector<16xf32>
        %add3A_593 = arith.constant 17 : i32
        %add3A_594 = arith.addi %add3A_178, %add3A_593 : i32
        %get3A_595 = arith.index_cast %add3A_594 : i32 to index
        %get3A_596 = arith.constant 16 : index
        %get3A_597 = tpu.vector_load %arg12[%get3A_595, %get3A_596] {strides = array<i32>} : memref<768x64xf32, #tpu.memory_space<vmem>>, vector<16xf32>,
        %add3A_598 = arith.addf %add3A_574, %get3A_597 : vector<16xf32>
        %add3A_599 = arith.constant 17 : i32
        %add3A_600 = arith.addi %add3A_178, %add3A_599 : i32
        %get3A_601 = arith.index_cast %add3A_600 : i32 to index
        %get3A_602 = arith.constant 32 : index
        %get3A_603 = tpu.vector_load %arg12[%get3A_601, %get3A_602] {strides = array<i32>} : memref<768x64xf32, #tpu.memory_space<vmem>>, vector<16xf32>,
        %add3A_604 = arith.addf %add3A_580, %get3A_603 : vector<16xf32>
        %add3A_605 = arith.constant 17 : i32
        %add3A_606 = arith.addi %add3A_178, %add3A_605 : i32
        %get3A_607 = arith.index_cast %add3A_606 : i32 to index
        %get3A_608 = arith.constant 48 : index
        %get3A_609 = tpu.vector_load %arg12[%get3A_607, %get3A_608] {strides = array<i32>} : memref<768x64xf32, #tpu.memory_space<vmem>>, vector<16xf32>,
        %add3A_610 = arith.addf %add3A_586, %get3A_609 : vector<16xf32>
        %add3A_611 = arith.constant 18 : i32
        %add3A_612 = arith.addi %add3A_178, %add3A_611 : i32
        %get3A_613 = arith.index_cast %add3A_612 : i32 to index
        %get3A_614 = arith.constant 0 : index
        %get3A_615 = tpu.vector_load %arg12[%get3A_613, %get3A_614] {strides = array<i32>} : memref<768x64xf32, #tpu.memory_space<vmem>>, vector<16xf32>,
        %add3A_616 = arith.addf %add3A_592, %get3A_615 : vector<16xf32>
        %add3A_617 = arith.constant 18 : i32
        %add3A_618 = arith.addi %add3A_178, %add3A_617 : i32
        %get3A_619 = arith.index_cast %add3A_618 : i32 to index
        %get3A_620 = arith.constant 16 : index
        %get3A_621 = tpu.vector_load %arg12[%get3A_619, %get3A_620] {strides = array<i32>} : memref<768x64xf32, #tpu.memory_space<vmem>>, vector<16xf32>,
        %add3A_622 = arith.addf %add3A_598, %get3A_621 : vector<16xf32>
        %add3A_623 = arith.constant 18 : i32
        %add3A_624 = arith.addi %add3A_178, %add3A_623 : i32
        %get3A_625 = arith.index_cast %add3A_624 : i32 to index
        %get3A_626 = arith.constant 32 : index
        %get3A_627 = tpu.vector_load %arg12[%get3A_625, %get3A_626] {strides = array<i32>} : memref<768x64xf32, #tpu.memory_space<vmem>>, vector<16xf32>,
        %add3A_628 = arith.addf %add3A_604, %get3A_627 : vector<16xf32>
        %add3A_629 = arith.constant 18 : i32
        %add3A_630 = arith.addi %add3A_178, %add3A_629 : i32
        %get3A_631 = arith.index_cast %add3A_630 : i32 to index
        %get3A_632 = arith.constant 48 : index
        %get3A_633 = tpu.vector_load %arg12[%get3A_631, %get3A_632] {strides = array<i32>} : memref<768x64xf32, #tpu.memory_space<vmem>>, vector<16xf32>,
        %add3A_634 = arith.addf %add3A_610, %get3A_633 : vector<16xf32>
        %add3A_635 = arith.constant 19 : i32
        %add3A_636 = arith.addi %add3A_178, %add3A_635 : i32
        %get3A_637 = arith.index_cast %add3A_636 : i32 to index
        %get3A_638 = arith.constant 0 : index
        %get3A_639 = tpu.vector_load %arg12[%get3A_637, %get3A_638] {strides = array<i32>} : memref<768x64xf32, #tpu.memory_space<vmem>>, vector<16xf32>,
        %add3A_640 = arith.addf %add3A_616, %get3A_639 : vector<16xf32>
        %add3A_641 = arith.constant 19 : i32
        %add3A_642 = arith.addi %add3A_178, %add3A_641 : i32
        %get3A_643 = arith.index_cast %add3A_642 : i32 to index
        %get3A_644 = arith.constant 16 : index
        %get3A_645 = tpu.vector_load %arg12[%get3A_643, %get3A_644] {strides = array<i32>} : memref<768x64xf32, #tpu.memory_space<vmem>>, vector<16xf32>,
        %add3A_646 = arith.addf %add3A_622, %get3A_645 : vector<16xf32>
        %add3A_647 = arith.constant 19 : i32
        %add3A_648 = arith.addi %add3A_178, %add3A_647 : i32
        %get3A_649 = arith.index_cast %add3A_648 : i32 to index
        %get3A_650 = arith.constant 32 : index
        %get3A_651 = tpu.vector_load %arg12[%get3A_649, %get3A_650] {strides = array<i32>} : memref<768x64xf32, #tpu.memory_space<vmem>>, vector<16xf32>,
        %add3A_652 = arith.addf %add3A_628, %get3A_651 : vector<16xf32>
        %add3A_653 = arith.constant 19 : i32
        %add3A_654 = arith.addi %add3A_178, %add3A_653 : i32
        %get3A_655 = arith.index_cast %add3A_654 : i32 to index
        %get3A_656 = arith.constant 48 : index
        %get3A_657 = tpu.vector_load %arg12[%get3A_655, %get3A_656] {strides = array<i32>} : memref<768x64xf32, #tpu.memory_space<vmem>>, vector<16xf32>,
        %add3A_658 = arith.addf %add3A_634, %get3A_657 : vector<16xf32>
        %mul3A_659 = arith.constant 26 : i32
        %mul3A_660 = arith.muli %scan3A_161, %mul3A_659 : i32
        %add3A_661 = arith.addi %multiple_of3A_131, %mul3A_660 : i32
        %mul3A_662 = arith.constant 16 : i32
        %mul3A_663 = arith.muli %rem3A_81, %mul3A_662 : i32
        %add3A_664 = arith.addi %mul3A_663, %scan3A_161 : i32
        %broadcast_in_dim3A = vector.broadcast %add3A_664 : i32 to vector<16xi32>
        %add3A_665 = arith.constant 0 : i32
        %add3A_666 = arith.addi %add3A_661, %add3A_665 : i32
        %get3A_667 = arith.index_cast %add3A_666 : i32 to index
        %get3A_668 = arith.constant 0 : index
        %get3A_669 = tpu.vector_load %arg14[%get3A_667, %get3A_668] {strides = array<i32>} : memref<1024x64xf32, #tpu.memory_space<vmem>>, vector<16xf32>,
        %mul3A_670 = arith.mulf %add3A_640, %get3A_669 : vector<16xf32>
        %add3A_671 = arith.constant 0 : i32
        %add3A_672 = arith.addi %add3A_661, %add3A_671 : i32
        %get3A_673 = arith.index_cast %add3A_672 : i32 to index
        %get3A_674 = arith.constant 16 : index
        %get3A_675 = tpu.vector_load %arg14[%get3A_673, %get3A_674] {strides = array<i32>} : memref<1024x64xf32, #tpu.memory_space<vmem>>, vector<16xf32>,
        %mul3A_676 = arith.mulf %add3A_646, %get3A_675 : vector<16xf32>
        %add3A_677 = arith.constant 0 : i32
        %add3A_678 = arith.addi %add3A_661, %add3A_677 : i32
        %get3A_679 = arith.index_cast %add3A_678 : i32 to index
        %get3A_680 = arith.constant 32 : index
        %get3A_681 = tpu.vector_load %arg14[%get3A_679, %get3A_680] {strides = array<i32>} : memref<1024x64xf32, #tpu.memory_space<vmem>>, vector<16xf32>,
        %mul3A_682 = arith.mulf %add3A_652, %get3A_681 : vector<16xf32>
        %add3A_683 = arith.constant 0 : i32
        %add3A_684 = arith.addi %add3A_661, %add3A_683 : i32
        %get3A_685 = arith.index_cast %add3A_684 : i32 to index
        %get3A_686 = arith.constant 48 : index
        %get3A_687 = tpu.vector_load %arg14[%get3A_685, %get3A_686] {strides = array<i32>} : memref<1024x64xf32, #tpu.memory_space<vmem>>, vector<16xf32>,
        %mul3A_688 = arith.mulf %add3A_658, %get3A_687 : vector<16xf32>
        %add3A_689 = arith.addf %mul3A_670, %mul3A_676 : vector<16xf32>
        %add3A_690 = arith.addf %mul3A_682, %mul3A_688 : vector<16xf32>
        %add3A_691 = arith.addf %add3A_689, %add3A_690 : vector<16xf32>
        %broadcast_in_dim3A_692 = arith.constant true
        %broadcast_in_dim3A_693 = vector.broadcast %broadcast_in_dim3A_692 : i1 to vector<16xi1>
        %masked_cumsum3A = tpu.scan <sum>, %add3A_691 masked %broadcast_in_dim3A_693 : vector<16xf32>, vector<16xi1> -> vector<16xf32>
        %broadcast_in_dim3A_694 = arith.constant 0 : i32
        %broadcast_in_dim3A_695 = vector.broadcast %broadcast_in_dim3A_694 : i32 to vector<16xi32>
        tpu.vector_store_idx %arg15[%broadcast_in_dim3A, %broadcast_in_dim3A_695], %masked_cumsum3A masked %eq3A_2 : memref<32x26xf32, #tpu.memory_space<vmem>>[vector<16xi32>, vector<16xi32>], vector<16xf32>, vector<16xi1>
        %add3A_696 = arith.constant 1 : i32
        %add3A_697 = arith.addi %add3A_661, %add3A_696 : i32
        %get3A_698 = arith.index_cast %add3A_697 : i32 to index
        %get3A_699 = arith.constant 0 : index
        %get3A_700 = tpu.vector_load %arg14[%get3A_698, %get3A_699] {strides = array<i32>} : memref<1024x64xf32, #tpu.memory_space<vmem>>, vector<16xf32>,
        %mul3A_701 = arith.mulf %add3A_640, %get3A_700 : vector<16xf32>
        %add3A_702 = arith.constant 1 : i32
        %add3A_703 = arith.addi %add3A_661, %add3A_702 : i32
        %get3A_704 = arith.index_cast %add3A_703 : i32 to index
        %get3A_705 = arith.constant 16 : index
        %get3A_706 = tpu.vector_load %arg14[%get3A_704, %get3A_705] {strides = array<i32>} : memref<1024x64xf32, #tpu.memory_space<vmem>>, vector<16xf32>,
        %mul3A_707 = arith.mulf %add3A_646, %get3A_706 : vector<16xf32>
        %add3A_708 = arith.constant 1 : i32
        %add3A_709 = arith.addi %add3A_661, %add3A_708 : i32
        %get3A_710 = arith.index_cast %add3A_709 : i32 to index
        %get3A_711 = arith.constant 32 : index
        %get3A_712 = tpu.vector_load %arg14[%get3A_710, %get3A_711] {strides = array<i32>} : memref<1024x64xf32, #tpu.memory_space<vmem>>, vector<16xf32>,
        %mul3A_713 = arith.mulf %add3A_652, %get3A_712 : vector<16xf32>
        %add3A_714 = arith.constant 1 : i32
        %add3A_715 = arith.addi %add3A_661, %add3A_714 : i32
        %get3A_716 = arith.index_cast %add3A_715 : i32 to index
        %get3A_717 = arith.constant 48 : index
        %get3A_718 = tpu.vector_load %arg14[%get3A_716, %get3A_717] {strides = array<i32>} : memref<1024x64xf32, #tpu.memory_space<vmem>>, vector<16xf32>,
        %mul3A_719 = arith.mulf %add3A_658, %get3A_718 : vector<16xf32>
        %add3A_720 = arith.addf %mul3A_701, %mul3A_707 : vector<16xf32>
        %add3A_721 = arith.addf %mul3A_713, %mul3A_719 : vector<16xf32>
        %add3A_722 = arith.addf %add3A_720, %add3A_721 : vector<16xf32>
        %broadcast_in_dim3A_723 = arith.constant true
        %broadcast_in_dim3A_724 = vector.broadcast %broadcast_in_dim3A_723 : i1 to vector<16xi1>
        %masked_cumsum3A_725 = tpu.scan <sum>, %add3A_722 masked %broadcast_in_dim3A_724 : vector<16xf32>, vector<16xi1> -> vector<16xf32>
        %broadcast_in_dim3A_726 = arith.constant 1 : i32
        %broadcast_in_dim3A_727 = vector.broadcast %broadcast_in_dim3A_726 : i32 to vector<16xi32>
        tpu.vector_store_idx %arg15[%broadcast_in_dim3A, %broadcast_in_dim3A_727], %masked_cumsum3A_725 masked %eq3A_2 : memref<32x26xf32, #tpu.memory_space<vmem>>[vector<16xi32>, vector<16xi32>], vector<16xf32>, vector<16xi1>
        %add3A_728 = arith.constant 2 : i32
        %add3A_729 = arith.addi %add3A_661, %add3A_728 : i32
        %get3A_730 = arith.index_cast %add3A_729 : i32 to index
        %get3A_731 = arith.constant 0 : index
        %get3A_732 = tpu.vector_load %arg14[%get3A_730, %get3A_731] {strides = array<i32>} : memref<1024x64xf32, #tpu.memory_space<vmem>>, vector<16xf32>,
        %mul3A_733 = arith.mulf %add3A_640, %get3A_732 : vector<16xf32>
        %add3A_734 = arith.constant 2 : i32
        %add3A_735 = arith.addi %add3A_661, %add3A_734 : i32
        %get3A_736 = arith.index_cast %add3A_735 : i32 to index
        %get3A_737 = arith.constant 16 : index
        %get3A_738 = tpu.vector_load %arg14[%get3A_736, %get3A_737] {strides = array<i32>} : memref<1024x64xf32, #tpu.memory_space<vmem>>, vector<16xf32>,
        %mul3A_739 = arith.mulf %add3A_646, %get3A_738 : vector<16xf32>
        %add3A_740 = arith.constant 2 : i32
        %add3A_741 = arith.addi %add3A_661, %add3A_740 : i32
        %get3A_742 = arith.index_cast %add3A_741 : i32 to index
        %get3A_743 = arith.constant 32 : index
        %get3A_744 = tpu.vector_load %arg14[%get3A_742, %get3A_743] {strides = array<i32>} : memref<1024x64xf32, #tpu.memory_space<vmem>>, vector<16xf32>,
        %mul3A_745 = arith.mulf %add3A_652, %get3A_744 : vector<16xf32>
        %add3A_746 = arith.constant 2 : i32
        %add3A_747 = arith.addi %add3A_661, %add3A_746 : i32
        %get3A_748 = arith.index_cast %add3A_747 : i32 to index
        %get3A_749 = arith.constant 48 : index
        %get3A_750 = tpu.vector_load %arg14[%get3A_748, %get3A_749] {strides = array<i32>} : memref<1024x64xf32, #tpu.memory_space<vmem>>, vector<16xf32>,
        %mul3A_751 = arith.mulf %add3A_658, %get3A_750 : vector<16xf32>
        %add3A_752 = arith.addf %mul3A_733, %mul3A_739 : vector<16xf32>
        %add3A_753 = arith.addf %mul3A_745, %mul3A_751 : vector<16xf32>
        %add3A_754 = arith.addf %add3A_752, %add3A_753 : vector<16xf32>
        %broadcast_in_dim3A_755 = arith.constant true
        %broadcast_in_dim3A_756 = vector.broadcast %broadcast_in_dim3A_755 : i1 to vector<16xi1>
        %masked_cumsum3A_757 = tpu.scan <sum>, %add3A_754 masked %broadcast_in_dim3A_756 : vector<16xf32>, vector<16xi1> -> vector<16xf32>
        %broadcast_in_dim3A_758 = arith.constant 2 : i32
        %broadcast_in_dim3A_759 = vector.broadcast %broadcast_in_dim3A_758 : i32 to vector<16xi32>
        tpu.vector_store_idx %arg15[%broadcast_in_dim3A, %broadcast_in_dim3A_759], %masked_cumsum3A_757 masked %eq3A_2 : memref<32x26xf32, #tpu.memory_space<vmem>>[vector<16xi32>, vector<16xi32>], vector<16xf32>, vector<16xi1>
        %add3A_760 = arith.constant 3 : i32
        %add3A_761 = arith.addi %add3A_661, %add3A_760 : i32
        %get3A_762 = arith.index_cast %add3A_761 : i32 to index
        %get3A_763 = arith.constant 0 : index
        %get3A_764 = tpu.vector_load %arg14[%get3A_762, %get3A_763] {strides = array<i32>} : memref<1024x64xf32, #tpu.memory_space<vmem>>, vector<16xf32>,
        %mul3A_765 = arith.mulf %add3A_640, %get3A_764 : vector<16xf32>
        %add3A_766 = arith.constant 3 : i32
        %add3A_767 = arith.addi %add3A_661, %add3A_766 : i32
        %get3A_768 = arith.index_cast %add3A_767 : i32 to index
        %get3A_769 = arith.constant 16 : index
        %get3A_770 = tpu.vector_load %arg14[%get3A_768, %get3A_769] {strides = array<i32>} : memref<1024x64xf32, #tpu.memory_space<vmem>>, vector<16xf32>,
        %mul3A_771 = arith.mulf %add3A_646, %get3A_770 : vector<16xf32>
        %add3A_772 = arith.constant 3 : i32
        %add3A_773 = arith.addi %add3A_661, %add3A_772 : i32
        %get3A_774 = arith.index_cast %add3A_773 : i32 to index
        %get3A_775 = arith.constant 32 : index
        %get3A_776 = tpu.vector_load %arg14[%get3A_774, %get3A_775] {strides = array<i32>} : memref<1024x64xf32, #tpu.memory_space<vmem>>, vector<16xf32>,
        %mul3A_777 = arith.mulf %add3A_652, %get3A_776 : vector<16xf32>
        %add3A_778 = arith.constant 3 : i32
        %add3A_779 = arith.addi %add3A_661, %add3A_778 : i32
        %get3A_780 = arith.index_cast %add3A_779 : i32 to index
        %get3A_781 = arith.constant 48 : index
        %get3A_782 = tpu.vector_load %arg14[%get3A_780, %get3A_781] {strides = array<i32>} : memref<1024x64xf32, #tpu.memory_space<vmem>>, vector<16xf32>,
        %mul3A_783 = arith.mulf %add3A_658, %get3A_782 : vector<16xf32>
        %add3A_784 = arith.addf %mul3A_765, %mul3A_771 : vector<16xf32>
        %add3A_785 = arith.addf %mul3A_777, %mul3A_783 : vector<16xf32>
        %add3A_786 = arith.addf %add3A_784, %add3A_785 : vector<16xf32>
        %broadcast_in_dim3A_787 = arith.constant true
        %broadcast_in_dim3A_788 = vector.broadcast %broadcast_in_dim3A_787 : i1 to vector<16xi1>
        %masked_cumsum3A_789 = tpu.scan <sum>, %add3A_786 masked %broadcast_in_dim3A_788 : vector<16xf32>, vector<16xi1> -> vector<16xf32>
        %broadcast_in_dim3A_790 = arith.constant 3 : i32
        %broadcast_in_dim3A_791 = vector.broadcast %broadcast_in_dim3A_790 : i32 to vector<16xi32>
        tpu.vector_store_idx %arg15[%broadcast_in_dim3A, %broadcast_in_dim3A_791], %masked_cumsum3A_789 masked %eq3A_2 : memref<32x26xf32, #tpu.memory_space<vmem>>[vector<16xi32>, vector<16xi32>], vector<16xf32>, vector<16xi1>
        %add3A_792 = arith.constant 4 : i32
        %add3A_793 = arith.addi %add3A_661, %add3A_792 : i32
        %get3A_794 = arith.index_cast %add3A_793 : i32 to index
        %get3A_795 = arith.constant 0 : index
        %get3A_796 = tpu.vector_load %arg14[%get3A_794, %get3A_795] {strides = array<i32>} : memref<1024x64xf32, #tpu.memory_space<vmem>>, vector<16xf32>,
        %mul3A_797 = arith.mulf %add3A_640, %get3A_796 : vector<16xf32>
        %add3A_798 = arith.constant 4 : i32
        %add3A_799 = arith.addi %add3A_661, %add3A_798 : i32
        %get3A_800 = arith.index_cast %add3A_799 : i32 to index
        %get3A_801 = arith.constant 16 : index
        %get3A_802 = tpu.vector_load %arg14[%get3A_800, %get3A_801] {strides = array<i32>} : memref<1024x64xf32, #tpu.memory_space<vmem>>, vector<16xf32>,
        %mul3A_803 = arith.mulf %add3A_646, %get3A_802 : vector<16xf32>
        %add3A_804 = arith.constant 4 : i32
        %add3A_805 = arith.addi %add3A_661, %add3A_804 : i32
        %get3A_806 = arith.index_cast %add3A_805 : i32 to index
        %get3A_807 = arith.constant 32 : index
        %get3A_808 = tpu.vector_load %arg14[%get3A_806, %get3A_807] {strides = array<i32>} : memref<1024x64xf32, #tpu.memory_space<vmem>>, vector<16xf32>,
        %mul3A_809 = arith.mulf %add3A_652, %get3A_808 : vector<16xf32>
        %add3A_810 = arith.constant 4 : i32
        %add3A_811 = arith.addi %add3A_661, %add3A_810 : i32
        %get3A_812 = arith.index_cast %add3A_811 : i32 to index
        %get3A_813 = arith.constant 48 : index
        %get3A_814 = tpu.vector_load %arg14[%get3A_812, %get3A_813] {strides = array<i32>} : memref<1024x64xf32, #tpu.memory_space<vmem>>, vector<16xf32>,
        %mul3A_815 = arith.mulf %add3A_658, %get3A_814 : vector<16xf32>
        %add3A_816 = arith.addf %mul3A_797, %mul3A_803 : vector<16xf32>
        %add3A_817 = arith.addf %mul3A_809, %mul3A_815 : vector<16xf32>
        %add3A_818 = arith.addf %add3A_816, %add3A_817 : vector<16xf32>
        %broadcast_in_dim3A_819 = arith.constant true
        %broadcast_in_dim3A_820 = vector.broadcast %broadcast_in_dim3A_819 : i1 to vector<16xi1>
        %masked_cumsum3A_821 = tpu.scan <sum>, %add3A_818 masked %broadcast_in_dim3A_820 : vector<16xf32>, vector<16xi1> -> vector<16xf32>
        %broadcast_in_dim3A_822 = arith.constant 4 : i32
        %broadcast_in_dim3A_823 = vector.broadcast %broadcast_in_dim3A_822 : i32 to vector<16xi32>
        tpu.vector_store_idx %arg15[%broadcast_in_dim3A, %broadcast_in_dim3A_823], %masked_cumsum3A_821 masked %eq3A_2 : memref<32x26xf32, #tpu.memory_space<vmem>>[vector<16xi32>, vector<16xi32>], vector<16xf32>, vector<16xi1>
        %add3A_824 = arith.constant 5 : i32
        %add3A_825 = arith.addi %add3A_661, %add3A_824 : i32
        %get3A_826 = arith.index_cast %add3A_825 : i32 to index
        %get3A_827 = arith.constant 0 : index
        %get3A_828 = tpu.vector_load %arg14[%get3A_826, %get3A_827] {strides = array<i32>} : memref<1024x64xf32, #tpu.memory_space<vmem>>, vector<16xf32>,
        %mul3A_829 = arith.mulf %add3A_640, %get3A_828 : vector<16xf32>
        %add3A_830 = arith.constant 5 : i32
        %add3A_831 = arith.addi %add3A_661, %add3A_830 : i32
        %get3A_832 = arith.index_cast %add3A_831 : i32 to index
        %get3A_833 = arith.constant 16 : index
        %get3A_834 = tpu.vector_load %arg14[%get3A_832, %get3A_833] {strides = array<i32>} : memref<1024x64xf32, #tpu.memory_space<vmem>>, vector<16xf32>,
        %mul3A_835 = arith.mulf %add3A_646, %get3A_834 : vector<16xf32>
        %add3A_836 = arith.constant 5 : i32
        %add3A_837 = arith.addi %add3A_661, %add3A_836 : i32
        %get3A_838 = arith.index_cast %add3A_837 : i32 to index
        %get3A_839 = arith.constant 32 : index
        %get3A_840 = tpu.vector_load %arg14[%get3A_838, %get3A_839] {strides = array<i32>} : memref<1024x64xf32, #tpu.memory_space<vmem>>, vector<16xf32>,
        %mul3A_841 = arith.mulf %add3A_652, %get3A_840 : vector<16xf32>
        %add3A_842 = arith.constant 5 : i32
        %add3A_843 = arith.addi %add3A_661, %add3A_842 : i32
        %get3A_844 = arith.index_cast %add3A_843 : i32 to index
        %get3A_845 = arith.constant 48 : index
        %get3A_846 = tpu.vector_load %arg14[%get3A_844, %get3A_845] {strides = array<i32>} : memref<1024x64xf32, #tpu.memory_space<vmem>>, vector<16xf32>,
        %mul3A_847 = arith.mulf %add3A_658, %get3A_846 : vector<16xf32>
        %add3A_848 = arith.addf %mul3A_829, %mul3A_835 : vector<16xf32>
        %add3A_849 = arith.addf %mul3A_841, %mul3A_847 : vector<16xf32>
        %add3A_850 = arith.addf %add3A_848, %add3A_849 : vector<16xf32>
        %broadcast_in_dim3A_851 = arith.constant true
        %broadcast_in_dim3A_852 = vector.broadcast %broadcast_in_dim3A_851 : i1 to vector<16xi1>
        %masked_cumsum3A_853 = tpu.scan <sum>, %add3A_850 masked %broadcast_in_dim3A_852 : vector<16xf32>, vector<16xi1> -> vector<16xf32>
        %broadcast_in_dim3A_854 = arith.constant 5 : i32
        %broadcast_in_dim3A_855 = vector.broadcast %broadcast_in_dim3A_854 : i32 to vector<16xi32>
        tpu.vector_store_idx %arg15[%broadcast_in_dim3A, %broadcast_in_dim3A_855], %masked_cumsum3A_853 masked %eq3A_2 : memref<32x26xf32, #tpu.memory_space<vmem>>[vector<16xi32>, vector<16xi32>], vector<16xf32>, vector<16xi1>
        %add3A_856 = arith.constant 6 : i32
        %add3A_857 = arith.addi %add3A_661, %add3A_856 : i32
        %get3A_858 = arith.index_cast %add3A_857 : i32 to index
        %get3A_859 = arith.constant 0 : index
        %get3A_860 = tpu.vector_load %arg14[%get3A_858, %get3A_859] {strides = array<i32>} : memref<1024x64xf32, #tpu.memory_space<vmem>>, vector<16xf32>,
        %mul3A_861 = arith.mulf %add3A_640, %get3A_860 : vector<16xf32>
        %add3A_862 = arith.constant 6 : i32
        %add3A_863 = arith.addi %add3A_661, %add3A_862 : i32
        %get3A_864 = arith.index_cast %add3A_863 : i32 to index
        %get3A_865 = arith.constant 16 : index
        %get3A_866 = tpu.vector_load %arg14[%get3A_864, %get3A_865] {strides = array<i32>} : memref<1024x64xf32, #tpu.memory_space<vmem>>, vector<16xf32>,
        %mul3A_867 = arith.mulf %add3A_646, %get3A_866 : vector<16xf32>
        %add3A_868 = arith.constant 6 : i32
        %add3A_869 = arith.addi %add3A_661, %add3A_868 : i32
        %get3A_870 = arith.index_cast %add3A_869 : i32 to index
        %get3A_871 = arith.constant 32 : index
        %get3A_872 = tpu.vector_load %arg14[%get3A_870, %get3A_871] {strides = array<i32>} : memref<1024x64xf32, #tpu.memory_space<vmem>>, vector<16xf32>,
        %mul3A_873 = arith.mulf %add3A_652, %get3A_872 : vector<16xf32>
        %add3A_874 = arith.constant 6 : i32
        %add3A_875 = arith.addi %add3A_661, %add3A_874 : i32
        %get3A_876 = arith.index_cast %add3A_875 : i32 to index
        %get3A_877 = arith.constant 48 : index
        %get3A_878 = tpu.vector_load %arg14[%get3A_876, %get3A_877] {strides = array<i32>} : memref<1024x64xf32, #tpu.memory_space<vmem>>, vector<16xf32>,
        %mul3A_879 = arith.mulf %add3A_658, %get3A_878 : vector<16xf32>
        %add3A_880 = arith.addf %mul3A_861, %mul3A_867 : vector<16xf32>
        %add3A_881 = arith.addf %mul3A_873, %mul3A_879 : vector<16xf32>
        %add3A_882 = arith.addf %add3A_880, %add3A_881 : vector<16xf32>
        %broadcast_in_dim3A_883 = arith.constant true
        %broadcast_in_dim3A_884 = vector.broadcast %broadcast_in_dim3A_883 : i1 to vector<16xi1>
        %masked_cumsum3A_885 = tpu.scan <sum>, %add3A_882 masked %broadcast_in_dim3A_884 : vector<16xf32>, vector<16xi1> -> vector<16xf32>
        %broadcast_in_dim3A_886 = arith.constant 6 : i32
        %broadcast_in_dim3A_887 = vector.broadcast %broadcast_in_dim3A_886 : i32 to vector<16xi32>
        tpu.vector_store_idx %arg15[%broadcast_in_dim3A, %broadcast_in_dim3A_887], %masked_cumsum3A_885 masked %eq3A_2 : memref<32x26xf32, #tpu.memory_space<vmem>>[vector<16xi32>, vector<16xi32>], vector<16xf32>, vector<16xi1>
        %add3A_888 = arith.constant 7 : i32
        %add3A_889 = arith.addi %add3A_661, %add3A_888 : i32
        %get3A_890 = arith.index_cast %add3A_889 : i32 to index
        %get3A_891 = arith.constant 0 : index
        %get3A_892 = tpu.vector_load %arg14[%get3A_890, %get3A_891] {strides = array<i32>} : memref<1024x64xf32, #tpu.memory_space<vmem>>, vector<16xf32>,
        %mul3A_893 = arith.mulf %add3A_640, %get3A_892 : vector<16xf32>
        %add3A_894 = arith.constant 7 : i32
        %add3A_895 = arith.addi %add3A_661, %add3A_894 : i32
        %get3A_896 = arith.index_cast %add3A_895 : i32 to index
        %get3A_897 = arith.constant 16 : index
        %get3A_898 = tpu.vector_load %arg14[%get3A_896, %get3A_897] {strides = array<i32>} : memref<1024x64xf32, #tpu.memory_space<vmem>>, vector<16xf32>,
        %mul3A_899 = arith.mulf %add3A_646, %get3A_898 : vector<16xf32>
        %add3A_900 = arith.constant 7 : i32
        %add3A_901 = arith.addi %add3A_661, %add3A_900 : i32
        %get3A_902 = arith.index_cast %add3A_901 : i32 to index
        %get3A_903 = arith.constant 32 : index
        %get3A_904 = tpu.vector_load %arg14[%get3A_902, %get3A_903] {strides = array<i32>} : memref<1024x64xf32, #tpu.memory_space<vmem>>, vector<16xf32>,
        %mul3A_905 = arith.mulf %add3A_652, %get3A_904 : vector<16xf32>
        %add3A_906 = arith.constant 7 : i32
        %add3A_907 = arith.addi %add3A_661, %add3A_906 : i32
        %get3A_908 = arith.index_cast %add3A_907 : i32 to index
        %get3A_909 = arith.constant 48 : index
        %get3A_910 = tpu.vector_load %arg14[%get3A_908, %get3A_909] {strides = array<i32>} : memref<1024x64xf32, #tpu.memory_space<vmem>>, vector<16xf32>,
        %mul3A_911 = arith.mulf %add3A_658, %get3A_910 : vector<16xf32>
        %add3A_912 = arith.addf %mul3A_893, %mul3A_899 : vector<16xf32>
        %add3A_913 = arith.addf %mul3A_905, %mul3A_911 : vector<16xf32>
        %add3A_914 = arith.addf %add3A_912, %add3A_913 : vector<16xf32>
        %broadcast_in_dim3A_915 = arith.constant true
        %broadcast_in_dim3A_916 = vector.broadcast %broadcast_in_dim3A_915 : i1 to vector<16xi1>
        %masked_cumsum3A_917 = tpu.scan <sum>, %add3A_914 masked %broadcast_in_dim3A_916 : vector<16xf32>, vector<16xi1> -> vector<16xf32>
        %broadcast_in_dim3A_918 = arith.constant 7 : i32
        %broadcast_in_dim3A_919 = vector.broadcast %broadcast_in_dim3A_918 : i32 to vector<16xi32>
        tpu.vector_store_idx %arg15[%broadcast_in_dim3A, %broadcast_in_dim3A_919], %masked_cumsum3A_917 masked %eq3A_2 : memref<32x26xf32, #tpu.memory_space<vmem>>[vector<16xi32>, vector<16xi32>], vector<16xf32>, vector<16xi1>
        %add3A_920 = arith.constant 8 : i32
        %add3A_921 = arith.addi %add3A_661, %add3A_920 : i32
        %get3A_922 = arith.index_cast %add3A_921 : i32 to index
        %get3A_923 = arith.constant 0 : index
        %get3A_924 = tpu.vector_load %arg14[%get3A_922, %get3A_923] {strides = array<i32>} : memref<1024x64xf32, #tpu.memory_space<vmem>>, vector<16xf32>,
        %mul3A_925 = arith.mulf %add3A_640, %get3A_924 : vector<16xf32>
        %add3A_926 = arith.constant 8 : i32
        %add3A_927 = arith.addi %add3A_661, %add3A_926 : i32
        %get3A_928 = arith.index_cast %add3A_927 : i32 to index
        %get3A_929 = arith.constant 16 : index
        %get3A_930 = tpu.vector_load %arg14[%get3A_928, %get3A_929] {strides = array<i32>} : memref<1024x64xf32, #tpu.memory_space<vmem>>, vector<16xf32>,
        %mul3A_931 = arith.mulf %add3A_646, %get3A_930 : vector<16xf32>
        %add3A_932 = arith.constant 8 : i32
        %add3A_933 = arith.addi %add3A_661, %add3A_932 : i32
        %get3A_934 = arith.index_cast %add3A_933 : i32 to index
        %get3A_935 = arith.constant 32 : index
        %get3A_936 = tpu.vector_load %arg14[%get3A_934, %get3A_935] {strides = array<i32>} : memref<1024x64xf32, #tpu.memory_space<vmem>>, vector<16xf32>,
        %mul3A_937 = arith.mulf %add3A_652, %get3A_936 : vector<16xf32>
        %add3A_938 = arith.constant 8 : i32
        %add3A_939 = arith.addi %add3A_661, %add3A_938 : i32
        %get3A_940 = arith.index_cast %add3A_939 : i32 to index
        %get3A_941 = arith.constant 48 : index
        %get3A_942 = tpu.vector_load %arg14[%get3A_940, %get3A_941] {strides = array<i32>} : memref<1024x64xf32, #tpu.memory_space<vmem>>, vector<16xf32>,
        %mul3A_943 = arith.mulf %add3A_658, %get3A_942 : vector<16xf32>
        %add3A_944 = arith.addf %mul3A_925, %mul3A_931 : vector<16xf32>
        %add3A_945 = arith.addf %mul3A_937, %mul3A_943 : vector<16xf32>
        %add3A_946 = arith.addf %add3A_944, %add3A_945 : vector<16xf32>
        %broadcast_in_dim3A_947 = arith.constant true
        %broadcast_in_dim3A_948 = vector.broadcast %broadcast_in_dim3A_947 : i1 to vector<16xi1>
        %masked_cumsum3A_949 = tpu.scan <sum>, %add3A_946 masked %broadcast_in_dim3A_948 : vector<16xf32>, vector<16xi1> -> vector<16xf32>
        %broadcast_in_dim3A_950 = arith.constant 8 : i32
        %broadcast_in_dim3A_951 = vector.broadcast %broadcast_in_dim3A_950 : i32 to vector<16xi32>
        tpu.vector_store_idx %arg15[%broadcast_in_dim3A, %broadcast_in_dim3A_951], %masked_cumsum3A_949 masked %eq3A_2 : memref<32x26xf32, #tpu.memory_space<vmem>>[vector<16xi32>, vector<16xi32>], vector<16xf32>, vector<16xi1>
        %add3A_952 = arith.constant 9 : i32
        %add3A_953 = arith.addi %add3A_661, %add3A_952 : i32
        %get3A_954 = arith.index_cast %add3A_953 : i32 to index
        %get3A_955 = arith.constant 0 : index
        %get3A_956 = tpu.vector_load %arg14[%get3A_954, %get3A_955] {strides = array<i32>} : memref<1024x64xf32, #tpu.memory_space<vmem>>, vector<16xf32>,
        %mul3A_957 = arith.mulf %add3A_640, %get3A_956 : vector<16xf32>
        %add3A_958 = arith.constant 9 : i32
        %add3A_959 = arith.addi %add3A_661, %add3A_958 : i32
        %get3A_960 = arith.index_cast %add3A_959 : i32 to index
        %get3A_961 = arith.constant 16 : index
        %get3A_962 = tpu.vector_load %arg14[%get3A_960, %get3A_961] {strides = array<i32>} : memref<1024x64xf32, #tpu.memory_space<vmem>>, vector<16xf32>,
        %mul3A_963 = arith.mulf %add3A_646, %get3A_962 : vector<16xf32>
        %add3A_964 = arith.constant 9 : i32
        %add3A_965 = arith.addi %add3A_661, %add3A_964 : i32
        %get3A_966 = arith.index_cast %add3A_965 : i32 to index
        %get3A_967 = arith.constant 32 : index
        %get3A_968 = tpu.vector_load %arg14[%get3A_966, %get3A_967] {strides = array<i32>} : memref<1024x64xf32, #tpu.memory_space<vmem>>, vector<16xf32>,
        %mul3A_969 = arith.mulf %add3A_652, %get3A_968 : vector<16xf32>
        %add3A_970 = arith.constant 9 : i32
        %add3A_971 = arith.addi %add3A_661, %add3A_970 : i32
        %get3A_972 = arith.index_cast %add3A_971 : i32 to index
        %get3A_973 = arith.constant 48 : index
        %get3A_974 = tpu.vector_load %arg14[%get3A_972, %get3A_973] {strides = array<i32>} : memref<1024x64xf32, #tpu.memory_space<vmem>>, vector<16xf32>,
        %mul3A_975 = arith.mulf %add3A_658, %get3A_974 : vector<16xf32>
        %add3A_976 = arith.addf %mul3A_957, %mul3A_963 : vector<16xf32>
        %add3A_977 = arith.addf %mul3A_969, %mul3A_975 : vector<16xf32>
        %add3A_978 = arith.addf %add3A_976, %add3A_977 : vector<16xf32>
        %broadcast_in_dim3A_979 = arith.constant true
        %broadcast_in_dim3A_980 = vector.broadcast %broadcast_in_dim3A_979 : i1 to vector<16xi1>
        %masked_cumsum3A_981 = tpu.scan <sum>, %add3A_978 masked %broadcast_in_dim3A_980 : vector<16xf32>, vector<16xi1> -> vector<16xf32>
        %broadcast_in_dim3A_982 = arith.constant 9 : i32
        %broadcast_in_dim3A_983 = vector.broadcast %broadcast_in_dim3A_982 : i32 to vector<16xi32>
        tpu.vector_store_idx %arg15[%broadcast_in_dim3A, %broadcast_in_dim3A_983], %masked_cumsum3A_981 masked %eq3A_2 : memref<32x26xf32, #tpu.memory_space<vmem>>[vector<16xi32>, vector<16xi32>], vector<16xf32>, vector<16xi1>
        %add3A_984 = arith.constant 10 : i32
        %add3A_985 = arith.addi %add3A_661, %add3A_984 : i32
        %get3A_986 = arith.index_cast %add3A_985 : i32 to index
        %get3A_987 = arith.constant 0 : index
        %get3A_988 = tpu.vector_load %arg14[%get3A_986, %get3A_987] {strides = array<i32>} : memref<1024x64xf32, #tpu.memory_space<vmem>>, vector<16xf32>,
        %mul3A_989 = arith.mulf %add3A_640, %get3A_988 : vector<16xf32>
        %add3A_990 = arith.constant 10 : i32
        %add3A_991 = arith.addi %add3A_661, %add3A_990 : i32
        %get3A_992 = arith.index_cast %add3A_991 : i32 to index
        %get3A_993 = arith.constant 16 : index
        %get3A_994 = tpu.vector_load %arg14[%get3A_992, %get3A_993] {strides = array<i32>} : memref<1024x64xf32, #tpu.memory_space<vmem>>, vector<16xf32>,
        %mul3A_995 = arith.mulf %add3A_646, %get3A_994 : vector<16xf32>
        %add3A_996 = arith.constant 10 : i32
        %add3A_997 = arith.addi %add3A_661, %add3A_996 : i32
        %get3A_998 = arith.index_cast %add3A_997 : i32 to index
        %get3A_999 = arith.constant 32 : index
        %get3A_1000 = tpu.vector_load %arg14[%get3A_998, %get3A_999] {strides = array<i32>} : memref<1024x64xf32, #tpu.memory_space<vmem>>, vector<16xf32>,
        %mul3A_1001 = arith.mulf %add3A_652, %get3A_1000 : vector<16xf32>
        %add3A_1002 = arith.constant 10 : i32
        %add3A_1003 = arith.addi %add3A_661, %add3A_1002 : i32
        %get3A_1004 = arith.index_cast %add3A_1003 : i32 to index
        %get3A_1005 = arith.constant 48 : index
        %get3A_1006 = tpu.vector_load %arg14[%get3A_1004, %get3A_1005] {strides = array<i32>} : memref<1024x64xf32, #tpu.memory_space<vmem>>, vector<16xf32>,
        %mul3A_1007 = arith.mulf %add3A_658, %get3A_1006 : vector<16xf32>
        %add3A_1008 = arith.addf %mul3A_989, %mul3A_995 : vector<16xf32>
        %add3A_1009 = arith.addf %mul3A_1001, %mul3A_1007 : vector<16xf32>
        %add3A_1010 = arith.addf %add3A_1008, %add3A_1009 : vector<16xf32>
        %broadcast_in_dim3A_1011 = arith.constant true
        %broadcast_in_dim3A_1012 = vector.broadcast %broadcast_in_dim3A_1011 : i1 to vector<16xi1>
        %masked_cumsum3A_1013 = tpu.scan <sum>, %add3A_1010 masked %broadcast_in_dim3A_1012 : vector<16xf32>, vector<16xi1> -> vector<16xf32>
        %broadcast_in_dim3A_1014 = arith.constant 10 : i32
        %broadcast_in_dim3A_1015 = vector.broadcast %broadcast_in_dim3A_1014 : i32 to vector<16xi32>
        tpu.vector_store_idx %arg15[%broadcast_in_dim3A, %broadcast_in_dim3A_1015], %masked_cumsum3A_1013 masked %eq3A_2 : memref<32x26xf32, #tpu.memory_space<vmem>>[vector<16xi32>, vector<16xi32>], vector<16xf32>, vector<16xi1>
        %add3A_1016 = arith.constant 11 : i32
        %add3A_1017 = arith.addi %add3A_661, %add3A_1016 : i32
        %get3A_1018 = arith.index_cast %add3A_1017 : i32 to index
        %get3A_1019 = arith.constant 0 : index
        %get3A_1020 = tpu.vector_load %arg14[%get3A_1018, %get3A_1019] {strides = array<i32>} : memref<1024x64xf32, #tpu.memory_space<vmem>>, vector<16xf32>,
        %mul3A_1021 = arith.mulf %add3A_640, %get3A_1020 : vector<16xf32>
        %add3A_1022 = arith.constant 11 : i32
        %add3A_1023 = arith.addi %add3A_661, %add3A_1022 : i32
        %get3A_1024 = arith.index_cast %add3A_1023 : i32 to index
        %get3A_1025 = arith.constant 16 : index
        %get3A_1026 = tpu.vector_load %arg14[%get3A_1024, %get3A_1025] {strides = array<i32>} : memref<1024x64xf32, #tpu.memory_space<vmem>>, vector<16xf32>,
        %mul3A_1027 = arith.mulf %add3A_646, %get3A_1026 : vector<16xf32>
        %add3A_1028 = arith.constant 11 : i32
        %add3A_1029 = arith.addi %add3A_661, %add3A_1028 : i32
        %get3A_1030 = arith.index_cast %add3A_1029 : i32 to index
        %get3A_1031 = arith.constant 32 : index
        %get3A_1032 = tpu.vector_load %arg14[%get3A_1030, %get3A_1031] {strides = array<i32>} : memref<1024x64xf32, #tpu.memory_space<vmem>>, vector<16xf32>,
        %mul3A_1033 = arith.mulf %add3A_652, %get3A_1032 : vector<16xf32>
        %add3A_1034 = arith.constant 11 : i32
        %add3A_1035 = arith.addi %add3A_661, %add3A_1034 : i32
        %get3A_1036 = arith.index_cast %add3A_1035 : i32 to index
        %get3A_1037 = arith.constant 48 : index
        %get3A_1038 = tpu.vector_load %arg14[%get3A_1036, %get3A_1037] {strides = array<i32>} : memref<1024x64xf32, #tpu.memory_space<vmem>>, vector<16xf32>,
        %mul3A_1039 = arith.mulf %add3A_658, %get3A_1038 : vector<16xf32>
        %add3A_1040 = arith.addf %mul3A_1021, %mul3A_1027 : vector<16xf32>
        %add3A_1041 = arith.addf %mul3A_1033, %mul3A_1039 : vector<16xf32>
        %add3A_1042 = arith.addf %add3A_1040, %add3A_1041 : vector<16xf32>
        %broadcast_in_dim3A_1043 = arith.constant true
        %broadcast_in_dim3A_1044 = vector.broadcast %broadcast_in_dim3A_1043 : i1 to vector<16xi1>
        %masked_cumsum3A_1045 = tpu.scan <sum>, %add3A_1042 masked %broadcast_in_dim3A_1044 : vector<16xf32>, vector<16xi1> -> vector<16xf32>
        %broadcast_in_dim3A_1046 = arith.constant 11 : i32
        %broadcast_in_dim3A_1047 = vector.broadcast %broadcast_in_dim3A_1046 : i32 to vector<16xi32>
        tpu.vector_store_idx %arg15[%broadcast_in_dim3A, %broadcast_in_dim3A_1047], %masked_cumsum3A_1045 masked %eq3A_2 : memref<32x26xf32, #tpu.memory_space<vmem>>[vector<16xi32>, vector<16xi32>], vector<16xf32>, vector<16xi1>
        %add3A_1048 = arith.constant 12 : i32
        %add3A_1049 = arith.addi %add3A_661, %add3A_1048 : i32
        %get3A_1050 = arith.index_cast %add3A_1049 : i32 to index
        %get3A_1051 = arith.constant 0 : index
        %get3A_1052 = tpu.vector_load %arg14[%get3A_1050, %get3A_1051] {strides = array<i32>} : memref<1024x64xf32, #tpu.memory_space<vmem>>, vector<16xf32>,
        %mul3A_1053 = arith.mulf %add3A_640, %get3A_1052 : vector<16xf32>
        %add3A_1054 = arith.constant 12 : i32
        %add3A_1055 = arith.addi %add3A_661, %add3A_1054 : i32
        %get3A_1056 = arith.index_cast %add3A_1055 : i32 to index
        %get3A_1057 = arith.constant 16 : index
        %get3A_1058 = tpu.vector_load %arg14[%get3A_1056, %get3A_1057] {strides = array<i32>} : memref<1024x64xf32, #tpu.memory_space<vmem>>, vector<16xf32>,
        %mul3A_1059 = arith.mulf %add3A_646, %get3A_1058 : vector<16xf32>
        %add3A_1060 = arith.constant 12 : i32
        %add3A_1061 = arith.addi %add3A_661, %add3A_1060 : i32
        %get3A_1062 = arith.index_cast %add3A_1061 : i32 to index
        %get3A_1063 = arith.constant 32 : index
        %get3A_1064 = tpu.vector_load %arg14[%get3A_1062, %get3A_1063] {strides = array<i32>} : memref<1024x64xf32, #tpu.memory_space<vmem>>, vector<16xf32>,
        %mul3A_1065 = arith.mulf %add3A_652, %get3A_1064 : vector<16xf32>
        %add3A_1066 = arith.constant 12 : i32
        %add3A_1067 = arith.addi %add3A_661, %add3A_1066 : i32
        %get3A_1068 = arith.index_cast %add3A_1067 : i32 to index
        %get3A_1069 = arith.constant 48 : index
        %get3A_1070 = tpu.vector_load %arg14[%get3A_1068, %get3A_1069] {strides = array<i32>} : memref<1024x64xf32, #tpu.memory_space<vmem>>, vector<16xf32>,
        %mul3A_1071 = arith.mulf %add3A_658, %get3A_1070 : vector<16xf32>
        %add3A_1072 = arith.addf %mul3A_1053, %mul3A_1059 : vector<16xf32>
        %add3A_1073 = arith.addf %mul3A_1065, %mul3A_1071 : vector<16xf32>
        %add3A_1074 = arith.addf %add3A_1072, %add3A_1073 : vector<16xf32>
        %broadcast_in_dim3A_1075 = arith.constant true
        %broadcast_in_dim3A_1076 = vector.broadcast %broadcast_in_dim3A_1075 : i1 to vector<16xi1>
        %masked_cumsum3A_1077 = tpu.scan <sum>, %add3A_1074 masked %broadcast_in_dim3A_1076 : vector<16xf32>, vector<16xi1> -> vector<16xf32>
        %broadcast_in_dim3A_1078 = arith.constant 12 : i32
        %broadcast_in_dim3A_1079 = vector.broadcast %broadcast_in_dim3A_1078 : i32 to vector<16xi32>
        tpu.vector_store_idx %arg15[%broadcast_in_dim3A, %broadcast_in_dim3A_1079], %masked_cumsum3A_1077 masked %eq3A_2 : memref<32x26xf32, #tpu.memory_space<vmem>>[vector<16xi32>, vector<16xi32>], vector<16xf32>, vector<16xi1>
        %add3A_1080 = arith.constant 13 : i32
        %add3A_1081 = arith.addi %add3A_661, %add3A_1080 : i32
        %get3A_1082 = arith.index_cast %add3A_1081 : i32 to index
        %get3A_1083 = arith.constant 0 : index
        %get3A_1084 = tpu.vector_load %arg14[%get3A_1082, %get3A_1083] {strides = array<i32>} : memref<1024x64xf32, #tpu.memory_space<vmem>>, vector<16xf32>,
        %mul3A_1085 = arith.mulf %add3A_640, %get3A_1084 : vector<16xf32>
        %add3A_1086 = arith.constant 13 : i32
        %add3A_1087 = arith.addi %add3A_661, %add3A_1086 : i32
        %get3A_1088 = arith.index_cast %add3A_1087 : i32 to index
        %get3A_1089 = arith.constant 16 : index
        %get3A_1090 = tpu.vector_load %arg14[%get3A_1088, %get3A_1089] {strides = array<i32>} : memref<1024x64xf32, #tpu.memory_space<vmem>>, vector<16xf32>,
        %mul3A_1091 = arith.mulf %add3A_646, %get3A_1090 : vector<16xf32>
        %add3A_1092 = arith.constant 13 : i32
        %add3A_1093 = arith.addi %add3A_661, %add3A_1092 : i32
        %get3A_1094 = arith.index_cast %add3A_1093 : i32 to index
        %get3A_1095 = arith.constant 32 : index
        %get3A_1096 = tpu.vector_load %arg14[%get3A_1094, %get3A_1095] {strides = array<i32>} : memref<1024x64xf32, #tpu.memory_space<vmem>>, vector<16xf32>,
        %mul3A_1097 = arith.mulf %add3A_652, %get3A_1096 : vector<16xf32>
        %add3A_1098 = arith.constant 13 : i32
        %add3A_1099 = arith.addi %add3A_661, %add3A_1098 : i32
        %get3A_1100 = arith.index_cast %add3A_1099 : i32 to index
        %get3A_1101 = arith.constant 48 : index
        %get3A_1102 = tpu.vector_load %arg14[%get3A_1100, %get3A_1101] {strides = array<i32>} : memref<1024x64xf32, #tpu.memory_space<vmem>>, vector<16xf32>,
        %mul3A_1103 = arith.mulf %add3A_658, %get3A_1102 : vector<16xf32>
        %add3A_1104 = arith.addf %mul3A_1085, %mul3A_1091 : vector<16xf32>
        %add3A_1105 = arith.addf %mul3A_1097, %mul3A_1103 : vector<16xf32>
        %add3A_1106 = arith.addf %add3A_1104, %add3A_1105 : vector<16xf32>
        %broadcast_in_dim3A_1107 = arith.constant true
        %broadcast_in_dim3A_1108 = vector.broadcast %broadcast_in_dim3A_1107 : i1 to vector<16xi1>
        %masked_cumsum3A_1109 = tpu.scan <sum>, %add3A_1106 masked %broadcast_in_dim3A_1108 : vector<16xf32>, vector<16xi1> -> vector<16xf32>
        %broadcast_in_dim3A_1110 = arith.constant 13 : i32
        %broadcast_in_dim3A_1111 = vector.broadcast %broadcast_in_dim3A_1110 : i32 to vector<16xi32>
        tpu.vector_store_idx %arg15[%broadcast_in_dim3A, %broadcast_in_dim3A_1111], %masked_cumsum3A_1109 masked %eq3A_2 : memref<32x26xf32, #tpu.memory_space<vmem>>[vector<16xi32>, vector<16xi32>], vector<16xf32>, vector<16xi1>
        %add3A_1112 = arith.constant 14 : i32
        %add3A_1113 = arith.addi %add3A_661, %add3A_1112 : i32
        %get3A_1114 = arith.index_cast %add3A_1113 : i32 to index
        %get3A_1115 = arith.constant 0 : index
        %get3A_1116 = tpu.vector_load %arg14[%get3A_1114, %get3A_1115] {strides = array<i32>} : memref<1024x64xf32, #tpu.memory_space<vmem>>, vector<16xf32>,
        %mul3A_1117 = arith.mulf %add3A_640, %get3A_1116 : vector<16xf32>
        %add3A_1118 = arith.constant 14 : i32
        %add3A_1119 = arith.addi %add3A_661, %add3A_1118 : i32
        %get3A_1120 = arith.index_cast %add3A_1119 : i32 to index
        %get3A_1121 = arith.constant 16 : index
        %get3A_1122 = tpu.vector_load %arg14[%get3A_1120, %get3A_1121] {strides = array<i32>} : memref<1024x64xf32, #tpu.memory_space<vmem>>, vector<16xf32>,
        %mul3A_1123 = arith.mulf %add3A_646, %get3A_1122 : vector<16xf32>
        %add3A_1124 = arith.constant 14 : i32
        %add3A_1125 = arith.addi %add3A_661, %add3A_1124 : i32
        %get3A_1126 = arith.index_cast %add3A_1125 : i32 to index
        %get3A_1127 = arith.constant 32 : index
        %get3A_1128 = tpu.vector_load %arg14[%get3A_1126, %get3A_1127] {strides = array<i32>} : memref<1024x64xf32, #tpu.memory_space<vmem>>, vector<16xf32>,
        %mul3A_1129 = arith.mulf %add3A_652, %get3A_1128 : vector<16xf32>
        %add3A_1130 = arith.constant 14 : i32
        %add3A_1131 = arith.addi %add3A_661, %add3A_1130 : i32
        %get3A_1132 = arith.index_cast %add3A_1131 : i32 to index
        %get3A_1133 = arith.constant 48 : index
        %get3A_1134 = tpu.vector_load %arg14[%get3A_1132, %get3A_1133] {strides = array<i32>} : memref<1024x64xf32, #tpu.memory_space<vmem>>, vector<16xf32>,
        %mul3A_1135 = arith.mulf %add3A_658, %get3A_1134 : vector<16xf32>
        %add3A_1136 = arith.addf %mul3A_1117, %mul3A_1123 : vector<16xf32>
        %add3A_1137 = arith.addf %mul3A_1129, %mul3A_1135 : vector<16xf32>
        %add3A_1138 = arith.addf %add3A_1136, %add3A_1137 : vector<16xf32>
        %broadcast_in_dim3A_1139 = arith.constant true
        %broadcast_in_dim3A_1140 = vector.broadcast %broadcast_in_dim3A_1139 : i1 to vector<16xi1>
        %masked_cumsum3A_1141 = tpu.scan <sum>, %add3A_1138 masked %broadcast_in_dim3A_1140 : vector<16xf32>, vector<16xi1> -> vector<16xf32>
        %broadcast_in_dim3A_1142 = arith.constant 14 : i32
        %broadcast_in_dim3A_1143 = vector.broadcast %broadcast_in_dim3A_1142 : i32 to vector<16xi32>
        tpu.vector_store_idx %arg15[%broadcast_in_dim3A, %broadcast_in_dim3A_1143], %masked_cumsum3A_1141 masked %eq3A_2 : memref<32x26xf32, #tpu.memory_space<vmem>>[vector<16xi32>, vector<16xi32>], vector<16xf32>, vector<16xi1>
        %add3A_1144 = arith.constant 15 : i32
        %add3A_1145 = arith.addi %add3A_661, %add3A_1144 : i32
        %get3A_1146 = arith.index_cast %add3A_1145 : i32 to index
        %get3A_1147 = arith.constant 0 : index
        %get3A_1148 = tpu.vector_load %arg14[%get3A_1146, %get3A_1147] {strides = array<i32>} : memref<1024x64xf32, #tpu.memory_space<vmem>>, vector<16xf32>,
        %mul3A_1149 = arith.mulf %add3A_640, %get3A_1148 : vector<16xf32>
        %add3A_1150 = arith.constant 15 : i32
        %add3A_1151 = arith.addi %add3A_661, %add3A_1150 : i32
        %get3A_1152 = arith.index_cast %add3A_1151 : i32 to index
        %get3A_1153 = arith.constant 16 : index
        %get3A_1154 = tpu.vector_load %arg14[%get3A_1152, %get3A_1153] {strides = array<i32>} : memref<1024x64xf32, #tpu.memory_space<vmem>>, vector<16xf32>,
        %mul3A_1155 = arith.mulf %add3A_646, %get3A_1154 : vector<16xf32>
        %add3A_1156 = arith.constant 15 : i32
        %add3A_1157 = arith.addi %add3A_661, %add3A_1156 : i32
        %get3A_1158 = arith.index_cast %add3A_1157 : i32 to index
        %get3A_1159 = arith.constant 32 : index
        %get3A_1160 = tpu.vector_load %arg14[%get3A_1158, %get3A_1159] {strides = array<i32>} : memref<1024x64xf32, #tpu.memory_space<vmem>>, vector<16xf32>,
        %mul3A_1161 = arith.mulf %add3A_652, %get3A_1160 : vector<16xf32>
        %add3A_1162 = arith.constant 15 : i32
        %add3A_1163 = arith.addi %add3A_661, %add3A_1162 : i32
        %get3A_1164 = arith.index_cast %add3A_1163 : i32 to index
        %get3A_1165 = arith.constant 48 : index
        %get3A_1166 = tpu.vector_load %arg14[%get3A_1164, %get3A_1165] {strides = array<i32>} : memref<1024x64xf32, #tpu.memory_space<vmem>>, vector<16xf32>,
        %mul3A_1167 = arith.mulf %add3A_658, %get3A_1166 : vector<16xf32>
        %add3A_1168 = arith.addf %mul3A_1149, %mul3A_1155 : vector<16xf32>
        %add3A_1169 = arith.addf %mul3A_1161, %mul3A_1167 : vector<16xf32>
        %add3A_1170 = arith.addf %add3A_1168, %add3A_1169 : vector<16xf32>
        %broadcast_in_dim3A_1171 = arith.constant true
        %broadcast_in_dim3A_1172 = vector.broadcast %broadcast_in_dim3A_1171 : i1 to vector<16xi1>
        %masked_cumsum3A_1173 = tpu.scan <sum>, %add3A_1170 masked %broadcast_in_dim3A_1172 : vector<16xf32>, vector<16xi1> -> vector<16xf32>
        %broadcast_in_dim3A_1174 = arith.constant 15 : i32
        %broadcast_in_dim3A_1175 = vector.broadcast %broadcast_in_dim3A_1174 : i32 to vector<16xi32>
        tpu.vector_store_idx %arg15[%broadcast_in_dim3A, %broadcast_in_dim3A_1175], %masked_cumsum3A_1173 masked %eq3A_2 : memref<32x26xf32, #tpu.memory_space<vmem>>[vector<16xi32>, vector<16xi32>], vector<16xf32>, vector<16xi1>
        %add3A_1176 = arith.constant 16 : i32
        %add3A_1177 = arith.addi %add3A_661, %add3A_1176 : i32
        %get3A_1178 = arith.index_cast %add3A_1177 : i32 to index
        %get3A_1179 = arith.constant 0 : index
        %get3A_1180 = tpu.vector_load %arg14[%get3A_1178, %get3A_1179] {strides = array<i32>} : memref<1024x64xf32, #tpu.memory_space<vmem>>, vector<16xf32>,
        %mul3A_1181 = arith.mulf %add3A_640, %get3A_1180 : vector<16xf32>
        %add3A_1182 = arith.constant 16 : i32
        %add3A_1183 = arith.addi %add3A_661, %add3A_1182 : i32
        %get3A_1184 = arith.index_cast %add3A_1183 : i32 to index
        %get3A_1185 = arith.constant 16 : index
        %get3A_1186 = tpu.vector_load %arg14[%get3A_1184, %get3A_1185] {strides = array<i32>} : memref<1024x64xf32, #tpu.memory_space<vmem>>, vector<16xf32>,
        %mul3A_1187 = arith.mulf %add3A_646, %get3A_1186 : vector<16xf32>
        %add3A_1188 = arith.constant 16 : i32
        %add3A_1189 = arith.addi %add3A_661, %add3A_1188 : i32
        %get3A_1190 = arith.index_cast %add3A_1189 : i32 to index
        %get3A_1191 = arith.constant 32 : index
        %get3A_1192 = tpu.vector_load %arg14[%get3A_1190, %get3A_1191] {strides = array<i32>} : memref<1024x64xf32, #tpu.memory_space<vmem>>, vector<16xf32>,
        %mul3A_1193 = arith.mulf %add3A_652, %get3A_1192 : vector<16xf32>
        %add3A_1194 = arith.constant 16 : i32
        %add3A_1195 = arith.addi %add3A_661, %add3A_1194 : i32
        %get3A_1196 = arith.index_cast %add3A_1195 : i32 to index
        %get3A_1197 = arith.constant 48 : index
        %get3A_1198 = tpu.vector_load %arg14[%get3A_1196, %get3A_1197] {strides = array<i32>} : memref<1024x64xf32, #tpu.memory_space<vmem>>, vector<16xf32>,
        %mul3A_1199 = arith.mulf %add3A_658, %get3A_1198 : vector<16xf32>
        %add3A_1200 = arith.addf %mul3A_1181, %mul3A_1187 : vector<16xf32>
        %add3A_1201 = arith.addf %mul3A_1193, %mul3A_1199 : vector<16xf32>
        %add3A_1202 = arith.addf %add3A_1200, %add3A_1201 : vector<16xf32>
        %broadcast_in_dim3A_1203 = arith.constant true
        %broadcast_in_dim3A_1204 = vector.broadcast %broadcast_in_dim3A_1203 : i1 to vector<16xi1>
        %masked_cumsum3A_1205 = tpu.scan <sum>, %add3A_1202 masked %broadcast_in_dim3A_1204 : vector<16xf32>, vector<16xi1> -> vector<16xf32>
        %broadcast_in_dim3A_1206 = arith.constant 16 : i32
        %broadcast_in_dim3A_1207 = vector.broadcast %broadcast_in_dim3A_1206 : i32 to vector<16xi32>
        tpu.vector_store_idx %arg15[%broadcast_in_dim3A, %broadcast_in_dim3A_1207], %masked_cumsum3A_1205 masked %eq3A_2 : memref<32x26xf32, #tpu.memory_space<vmem>>[vector<16xi32>, vector<16xi32>], vector<16xf32>, vector<16xi1>
        %add3A_1208 = arith.constant 17 : i32
        %add3A_1209 = arith.addi %add3A_661, %add3A_1208 : i32
        %get3A_1210 = arith.index_cast %add3A_1209 : i32 to index
        %get3A_1211 = arith.constant 0 : index
        %get3A_1212 = tpu.vector_load %arg14[%get3A_1210, %get3A_1211] {strides = array<i32>} : memref<1024x64xf32, #tpu.memory_space<vmem>>, vector<16xf32>,
        %mul3A_1213 = arith.mulf %add3A_640, %get3A_1212 : vector<16xf32>
        %add3A_1214 = arith.constant 17 : i32
        %add3A_1215 = arith.addi %add3A_661, %add3A_1214 : i32
        %get3A_1216 = arith.index_cast %add3A_1215 : i32 to index
        %get3A_1217 = arith.constant 16 : index
        %get3A_1218 = tpu.vector_load %arg14[%get3A_1216, %get3A_1217] {strides = array<i32>} : memref<1024x64xf32, #tpu.memory_space<vmem>>, vector<16xf32>,
        %mul3A_1219 = arith.mulf %add3A_646, %get3A_1218 : vector<16xf32>
        %add3A_1220 = arith.constant 17 : i32
        %add3A_1221 = arith.addi %add3A_661, %add3A_1220 : i32
        %get3A_1222 = arith.index_cast %add3A_1221 : i32 to index
        %get3A_1223 = arith.constant 32 : index
        %get3A_1224 = tpu.vector_load %arg14[%get3A_1222, %get3A_1223] {strides = array<i32>} : memref<1024x64xf32, #tpu.memory_space<vmem>>, vector<16xf32>,
        %mul3A_1225 = arith.mulf %add3A_652, %get3A_1224 : vector<16xf32>
        %add3A_1226 = arith.constant 17 : i32
        %add3A_1227 = arith.addi %add3A_661, %add3A_1226 : i32
        %get3A_1228 = arith.index_cast %add3A_1227 : i32 to index
        %get3A_1229 = arith.constant 48 : index
        %get3A_1230 = tpu.vector_load %arg14[%get3A_1228, %get3A_1229] {strides = array<i32>} : memref<1024x64xf32, #tpu.memory_space<vmem>>, vector<16xf32>,
        %mul3A_1231 = arith.mulf %add3A_658, %get3A_1230 : vector<16xf32>
        %add3A_1232 = arith.addf %mul3A_1213, %mul3A_1219 : vector<16xf32>
        %add3A_1233 = arith.addf %mul3A_1225, %mul3A_1231 : vector<16xf32>
        %add3A_1234 = arith.addf %add3A_1232, %add3A_1233 : vector<16xf32>
        %broadcast_in_dim3A_1235 = arith.constant true
        %broadcast_in_dim3A_1236 = vector.broadcast %broadcast_in_dim3A_1235 : i1 to vector<16xi1>
        %masked_cumsum3A_1237 = tpu.scan <sum>, %add3A_1234 masked %broadcast_in_dim3A_1236 : vector<16xf32>, vector<16xi1> -> vector<16xf32>
        %broadcast_in_dim3A_1238 = arith.constant 17 : i32
        %broadcast_in_dim3A_1239 = vector.broadcast %broadcast_in_dim3A_1238 : i32 to vector<16xi32>
        tpu.vector_store_idx %arg15[%broadcast_in_dim3A, %broadcast_in_dim3A_1239], %masked_cumsum3A_1237 masked %eq3A_2 : memref<32x26xf32, #tpu.memory_space<vmem>>[vector<16xi32>, vector<16xi32>], vector<16xf32>, vector<16xi1>
        %add3A_1240 = arith.constant 18 : i32
        %add3A_1241 = arith.addi %add3A_661, %add3A_1240 : i32
        %get3A_1242 = arith.index_cast %add3A_1241 : i32 to index
        %get3A_1243 = arith.constant 0 : index
        %get3A_1244 = tpu.vector_load %arg14[%get3A_1242, %get3A_1243] {strides = array<i32>} : memref<1024x64xf32, #tpu.memory_space<vmem>>, vector<16xf32>,
        %mul3A_1245 = arith.mulf %add3A_640, %get3A_1244 : vector<16xf32>
        %add3A_1246 = arith.constant 18 : i32
        %add3A_1247 = arith.addi %add3A_661, %add3A_1246 : i32
        %get3A_1248 = arith.index_cast %add3A_1247 : i32 to index
        %get3A_1249 = arith.constant 16 : index
        %get3A_1250 = tpu.vector_load %arg14[%get3A_1248, %get3A_1249] {strides = array<i32>} : memref<1024x64xf32, #tpu.memory_space<vmem>>, vector<16xf32>,
        %mul3A_1251 = arith.mulf %add3A_646, %get3A_1250 : vector<16xf32>
        %add3A_1252 = arith.constant 18 : i32
        %add3A_1253 = arith.addi %add3A_661, %add3A_1252 : i32
        %get3A_1254 = arith.index_cast %add3A_1253 : i32 to index
        %get3A_1255 = arith.constant 32 : index
        %get3A_1256 = tpu.vector_load %arg14[%get3A_1254, %get3A_1255] {strides = array<i32>} : memref<1024x64xf32, #tpu.memory_space<vmem>>, vector<16xf32>,
        %mul3A_1257 = arith.mulf %add3A_652, %get3A_1256 : vector<16xf32>
        %add3A_1258 = arith.constant 18 : i32
        %add3A_1259 = arith.addi %add3A_661, %add3A_1258 : i32
        %get3A_1260 = arith.index_cast %add3A_1259 : i32 to index
        %get3A_1261 = arith.constant 48 : index
        %get3A_1262 = tpu.vector_load %arg14[%get3A_1260, %get3A_1261] {strides = array<i32>} : memref<1024x64xf32, #tpu.memory_space<vmem>>, vector<16xf32>,
        %mul3A_1263 = arith.mulf %add3A_658, %get3A_1262 : vector<16xf32>
        %add3A_1264 = arith.addf %mul3A_1245, %mul3A_1251 : vector<16xf32>
        %add3A_1265 = arith.addf %mul3A_1257, %mul3A_1263 : vector<16xf32>
        %add3A_1266 = arith.addf %add3A_1264, %add3A_1265 : vector<16xf32>
        %broadcast_in_dim3A_1267 = arith.constant true
        %broadcast_in_dim3A_1268 = vector.broadcast %broadcast_in_dim3A_1267 : i1 to vector<16xi1>
        %masked_cumsum3A_1269 = tpu.scan <sum>, %add3A_1266 masked %broadcast_in_dim3A_1268 : vector<16xf32>, vector<16xi1> -> vector<16xf32>
        %broadcast_in_dim3A_1270 = arith.constant 18 : i32
        %broadcast_in_dim3A_1271 = vector.broadcast %broadcast_in_dim3A_1270 : i32 to vector<16xi32>
        tpu.vector_store_idx %arg15[%broadcast_in_dim3A, %broadcast_in_dim3A_1271], %masked_cumsum3A_1269 masked %eq3A_2 : memref<32x26xf32, #tpu.memory_space<vmem>>[vector<16xi32>, vector<16xi32>], vector<16xf32>, vector<16xi1>
        %add3A_1272 = arith.constant 19 : i32
        %add3A_1273 = arith.addi %add3A_661, %add3A_1272 : i32
        %get3A_1274 = arith.index_cast %add3A_1273 : i32 to index
        %get3A_1275 = arith.constant 0 : index
        %get3A_1276 = tpu.vector_load %arg14[%get3A_1274, %get3A_1275] {strides = array<i32>} : memref<1024x64xf32, #tpu.memory_space<vmem>>, vector<16xf32>,
        %mul3A_1277 = arith.mulf %add3A_640, %get3A_1276 : vector<16xf32>
        %add3A_1278 = arith.constant 19 : i32
        %add3A_1279 = arith.addi %add3A_661, %add3A_1278 : i32
        %get3A_1280 = arith.index_cast %add3A_1279 : i32 to index
        %get3A_1281 = arith.constant 16 : index
        %get3A_1282 = tpu.vector_load %arg14[%get3A_1280, %get3A_1281] {strides = array<i32>} : memref<1024x64xf32, #tpu.memory_space<vmem>>, vector<16xf32>,
        %mul3A_1283 = arith.mulf %add3A_646, %get3A_1282 : vector<16xf32>
        %add3A_1284 = arith.constant 19 : i32
        %add3A_1285 = arith.addi %add3A_661, %add3A_1284 : i32
        %get3A_1286 = arith.index_cast %add3A_1285 : i32 to index
        %get3A_1287 = arith.constant 32 : index
        %get3A_1288 = tpu.vector_load %arg14[%get3A_1286, %get3A_1287] {strides = array<i32>} : memref<1024x64xf32, #tpu.memory_space<vmem>>, vector<16xf32>,
        %mul3A_1289 = arith.mulf %add3A_652, %get3A_1288 : vector<16xf32>
        %add3A_1290 = arith.constant 19 : i32
        %add3A_1291 = arith.addi %add3A_661, %add3A_1290 : i32
        %get3A_1292 = arith.index_cast %add3A_1291 : i32 to index
        %get3A_1293 = arith.constant 48 : index
        %get3A_1294 = tpu.vector_load %arg14[%get3A_1292, %get3A_1293] {strides = array<i32>} : memref<1024x64xf32, #tpu.memory_space<vmem>>, vector<16xf32>,
        %mul3A_1295 = arith.mulf %add3A_658, %get3A_1294 : vector<16xf32>
        %add3A_1296 = arith.addf %mul3A_1277, %mul3A_1283 : vector<16xf32>
        %add3A_1297 = arith.addf %mul3A_1289, %mul3A_1295 : vector<16xf32>
        %add3A_1298 = arith.addf %add3A_1296, %add3A_1297 : vector<16xf32>
        %broadcast_in_dim3A_1299 = arith.constant true
        %broadcast_in_dim3A_1300 = vector.broadcast %broadcast_in_dim3A_1299 : i1 to vector<16xi1>
        %masked_cumsum3A_1301 = tpu.scan <sum>, %add3A_1298 masked %broadcast_in_dim3A_1300 : vector<16xf32>, vector<16xi1> -> vector<16xf32>
        %broadcast_in_dim3A_1302 = arith.constant 19 : i32
        %broadcast_in_dim3A_1303 = vector.broadcast %broadcast_in_dim3A_1302 : i32 to vector<16xi32>
        tpu.vector_store_idx %arg15[%broadcast_in_dim3A, %broadcast_in_dim3A_1303], %masked_cumsum3A_1301 masked %eq3A_2 : memref<32x26xf32, #tpu.memory_space<vmem>>[vector<16xi32>, vector<16xi32>], vector<16xf32>, vector<16xi1>
        %add3A_1304 = arith.constant 20 : i32
        %add3A_1305 = arith.addi %add3A_661, %add3A_1304 : i32
        %get3A_1306 = arith.index_cast %add3A_1305 : i32 to index
        %get3A_1307 = arith.constant 0 : index
        %get3A_1308 = tpu.vector_load %arg14[%get3A_1306, %get3A_1307] {strides = array<i32>} : memref<1024x64xf32, #tpu.memory_space<vmem>>, vector<16xf32>,
        %mul3A_1309 = arith.mulf %add3A_640, %get3A_1308 : vector<16xf32>
        %add3A_1310 = arith.constant 20 : i32
        %add3A_1311 = arith.addi %add3A_661, %add3A_1310 : i32
        %get3A_1312 = arith.index_cast %add3A_1311 : i32 to index
        %get3A_1313 = arith.constant 16 : index
        %get3A_1314 = tpu.vector_load %arg14[%get3A_1312, %get3A_1313] {strides = array<i32>} : memref<1024x64xf32, #tpu.memory_space<vmem>>, vector<16xf32>,
        %mul3A_1315 = arith.mulf %add3A_646, %get3A_1314 : vector<16xf32>
        %add3A_1316 = arith.constant 20 : i32
        %add3A_1317 = arith.addi %add3A_661, %add3A_1316 : i32
        %get3A_1318 = arith.index_cast %add3A_1317 : i32 to index
        %get3A_1319 = arith.constant 32 : index
        %get3A_1320 = tpu.vector_load %arg14[%get3A_1318, %get3A_1319] {strides = array<i32>} : memref<1024x64xf32, #tpu.memory_space<vmem>>, vector<16xf32>,
        %mul3A_1321 = arith.mulf %add3A_652, %get3A_1320 : vector<16xf32>
        %add3A_1322 = arith.constant 20 : i32
        %add3A_1323 = arith.addi %add3A_661, %add3A_1322 : i32
        %get3A_1324 = arith.index_cast %add3A_1323 : i32 to index
        %get3A_1325 = arith.constant 48 : index
        %get3A_1326 = tpu.vector_load %arg14[%get3A_1324, %get3A_1325] {strides = array<i32>} : memref<1024x64xf32, #tpu.memory_space<vmem>>, vector<16xf32>,
        %mul3A_1327 = arith.mulf %add3A_658, %get3A_1326 : vector<16xf32>
        %add3A_1328 = arith.addf %mul3A_1309, %mul3A_1315 : vector<16xf32>
        %add3A_1329 = arith.addf %mul3A_1321, %mul3A_1327 : vector<16xf32>
        %add3A_1330 = arith.addf %add3A_1328, %add3A_1329 : vector<16xf32>
        %broadcast_in_dim3A_1331 = arith.constant true
        %broadcast_in_dim3A_1332 = vector.broadcast %broadcast_in_dim3A_1331 : i1 to vector<16xi1>
        %masked_cumsum3A_1333 = tpu.scan <sum>, %add3A_1330 masked %broadcast_in_dim3A_1332 : vector<16xf32>, vector<16xi1> -> vector<16xf32>
        %broadcast_in_dim3A_1334 = arith.constant 20 : i32
        %broadcast_in_dim3A_1335 = vector.broadcast %broadcast_in_dim3A_1334 : i32 to vector<16xi32>
        tpu.vector_store_idx %arg15[%broadcast_in_dim3A, %broadcast_in_dim3A_1335], %masked_cumsum3A_1333 masked %eq3A_2 : memref<32x26xf32, #tpu.memory_space<vmem>>[vector<16xi32>, vector<16xi32>], vector<16xf32>, vector<16xi1>
        %add3A_1336 = arith.constant 21 : i32
        %add3A_1337 = arith.addi %add3A_661, %add3A_1336 : i32
        %get3A_1338 = arith.index_cast %add3A_1337 : i32 to index
        %get3A_1339 = arith.constant 0 : index
        %get3A_1340 = tpu.vector_load %arg14[%get3A_1338, %get3A_1339] {strides = array<i32>} : memref<1024x64xf32, #tpu.memory_space<vmem>>, vector<16xf32>,
        %mul3A_1341 = arith.mulf %add3A_640, %get3A_1340 : vector<16xf32>
        %add3A_1342 = arith.constant 21 : i32
        %add3A_1343 = arith.addi %add3A_661, %add3A_1342 : i32
        %get3A_1344 = arith.index_cast %add3A_1343 : i32 to index
        %get3A_1345 = arith.constant 16 : index
        %get3A_1346 = tpu.vector_load %arg14[%get3A_1344, %get3A_1345] {strides = array<i32>} : memref<1024x64xf32, #tpu.memory_space<vmem>>, vector<16xf32>,
        %mul3A_1347 = arith.mulf %add3A_646, %get3A_1346 : vector<16xf32>
        %add3A_1348 = arith.constant 21 : i32
        %add3A_1349 = arith.addi %add3A_661, %add3A_1348 : i32
        %get3A_1350 = arith.index_cast %add3A_1349 : i32 to index
        %get3A_1351 = arith.constant 32 : index
        %get3A_1352 = tpu.vector_load %arg14[%get3A_1350, %get3A_1351] {strides = array<i32>} : memref<1024x64xf32, #tpu.memory_space<vmem>>, vector<16xf32>,
        %mul3A_1353 = arith.mulf %add3A_652, %get3A_1352 : vector<16xf32>
        %add3A_1354 = arith.constant 21 : i32
        %add3A_1355 = arith.addi %add3A_661, %add3A_1354 : i32
        %get3A_1356 = arith.index_cast %add3A_1355 : i32 to index
        %get3A_1357 = arith.constant 48 : index
        %get3A_1358 = tpu.vector_load %arg14[%get3A_1356, %get3A_1357] {strides = array<i32>} : memref<1024x64xf32, #tpu.memory_space<vmem>>, vector<16xf32>,
        %mul3A_1359 = arith.mulf %add3A_658, %get3A_1358 : vector<16xf32>
        %add3A_1360 = arith.addf %mul3A_1341, %mul3A_1347 : vector<16xf32>
        %add3A_1361 = arith.addf %mul3A_1353, %mul3A_1359 : vector<16xf32>
        %add3A_1362 = arith.addf %add3A_1360, %add3A_1361 : vector<16xf32>
        %broadcast_in_dim3A_1363 = arith.constant true
        %broadcast_in_dim3A_1364 = vector.broadcast %broadcast_in_dim3A_1363 : i1 to vector<16xi1>
        %masked_cumsum3A_1365 = tpu.scan <sum>, %add3A_1362 masked %broadcast_in_dim3A_1364 : vector<16xf32>, vector<16xi1> -> vector<16xf32>
        %broadcast_in_dim3A_1366 = arith.constant 21 : i32
        %broadcast_in_dim3A_1367 = vector.broadcast %broadcast_in_dim3A_1366 : i32 to vector<16xi32>
        tpu.vector_store_idx %arg15[%broadcast_in_dim3A, %broadcast_in_dim3A_1367], %masked_cumsum3A_1365 masked %eq3A_2 : memref<32x26xf32, #tpu.memory_space<vmem>>[vector<16xi32>, vector<16xi32>], vector<16xf32>, vector<16xi1>
        %add3A_1368 = arith.constant 22 : i32
        %add3A_1369 = arith.addi %add3A_661, %add3A_1368 : i32
        %get3A_1370 = arith.index_cast %add3A_1369 : i32 to index
        %get3A_1371 = arith.constant 0 : index
        %get3A_1372 = tpu.vector_load %arg14[%get3A_1370, %get3A_1371] {strides = array<i32>} : memref<1024x64xf32, #tpu.memory_space<vmem>>, vector<16xf32>,
        %mul3A_1373 = arith.mulf %add3A_640, %get3A_1372 : vector<16xf32>
        %add3A_1374 = arith.constant 22 : i32
        %add3A_1375 = arith.addi %add3A_661, %add3A_1374 : i32
        %get3A_1376 = arith.index_cast %add3A_1375 : i32 to index
        %get3A_1377 = arith.constant 16 : index
        %get3A_1378 = tpu.vector_load %arg14[%get3A_1376, %get3A_1377] {strides = array<i32>} : memref<1024x64xf32, #tpu.memory_space<vmem>>, vector<16xf32>,
        %mul3A_1379 = arith.mulf %add3A_646, %get3A_1378 : vector<16xf32>
        %add3A_1380 = arith.constant 22 : i32
        %add3A_1381 = arith.addi %add3A_661, %add3A_1380 : i32
        %get3A_1382 = arith.index_cast %add3A_1381 : i32 to index
        %get3A_1383 = arith.constant 32 : index
        %get3A_1384 = tpu.vector_load %arg14[%get3A_1382, %get3A_1383] {strides = array<i32>} : memref<1024x64xf32, #tpu.memory_space<vmem>>, vector<16xf32>,
        %mul3A_1385 = arith.mulf %add3A_652, %get3A_1384 : vector<16xf32>
        %add3A_1386 = arith.constant 22 : i32
        %add3A_1387 = arith.addi %add3A_661, %add3A_1386 : i32
        %get3A_1388 = arith.index_cast %add3A_1387 : i32 to index
        %get3A_1389 = arith.constant 48 : index
        %get3A_1390 = tpu.vector_load %arg14[%get3A_1388, %get3A_1389] {strides = array<i32>} : memref<1024x64xf32, #tpu.memory_space<vmem>>, vector<16xf32>,
        %mul3A_1391 = arith.mulf %add3A_658, %get3A_1390 : vector<16xf32>
        %add3A_1392 = arith.addf %mul3A_1373, %mul3A_1379 : vector<16xf32>
        %add3A_1393 = arith.addf %mul3A_1385, %mul3A_1391 : vector<16xf32>
        %add3A_1394 = arith.addf %add3A_1392, %add3A_1393 : vector<16xf32>
        %broadcast_in_dim3A_1395 = arith.constant true
        %broadcast_in_dim3A_1396 = vector.broadcast %broadcast_in_dim3A_1395 : i1 to vector<16xi1>
        %masked_cumsum3A_1397 = tpu.scan <sum>, %add3A_1394 masked %broadcast_in_dim3A_1396 : vector<16xf32>, vector<16xi1> -> vector<16xf32>
        %broadcast_in_dim3A_1398 = arith.constant 22 : i32
        %broadcast_in_dim3A_1399 = vector.broadcast %broadcast_in_dim3A_1398 : i32 to vector<16xi32>
        tpu.vector_store_idx %arg15[%broadcast_in_dim3A, %broadcast_in_dim3A_1399], %masked_cumsum3A_1397 masked %eq3A_2 : memref<32x26xf32, #tpu.memory_space<vmem>>[vector<16xi32>, vector<16xi32>], vector<16xf32>, vector<16xi1>
        %add3A_1400 = arith.constant 23 : i32
        %add3A_1401 = arith.addi %add3A_661, %add3A_1400 : i32
        %get3A_1402 = arith.index_cast %add3A_1401 : i32 to index
        %get3A_1403 = arith.constant 0 : index
        %get3A_1404 = tpu.vector_load %arg14[%get3A_1402, %get3A_1403] {strides = array<i32>} : memref<1024x64xf32, #tpu.memory_space<vmem>>, vector<16xf32>,
        %mul3A_1405 = arith.mulf %add3A_640, %get3A_1404 : vector<16xf32>
        %add3A_1406 = arith.constant 23 : i32
        %add3A_1407 = arith.addi %add3A_661, %add3A_1406 : i32
        %get3A_1408 = arith.index_cast %add3A_1407 : i32 to index
        %get3A_1409 = arith.constant 16 : index
        %get3A_1410 = tpu.vector_load %arg14[%get3A_1408, %get3A_1409] {strides = array<i32>} : memref<1024x64xf32, #tpu.memory_space<vmem>>, vector<16xf32>,
        %mul3A_1411 = arith.mulf %add3A_646, %get3A_1410 : vector<16xf32>
        %add3A_1412 = arith.constant 23 : i32
        %add3A_1413 = arith.addi %add3A_661, %add3A_1412 : i32
        %get3A_1414 = arith.index_cast %add3A_1413 : i32 to index
        %get3A_1415 = arith.constant 32 : index
        %get3A_1416 = tpu.vector_load %arg14[%get3A_1414, %get3A_1415] {strides = array<i32>} : memref<1024x64xf32, #tpu.memory_space<vmem>>, vector<16xf32>,
        %mul3A_1417 = arith.mulf %add3A_652, %get3A_1416 : vector<16xf32>
        %add3A_1418 = arith.constant 23 : i32
        %add3A_1419 = arith.addi %add3A_661, %add3A_1418 : i32
        %get3A_1420 = arith.index_cast %add3A_1419 : i32 to index
        %get3A_1421 = arith.constant 48 : index
        %get3A_1422 = tpu.vector_load %arg14[%get3A_1420, %get3A_1421] {strides = array<i32>} : memref<1024x64xf32, #tpu.memory_space<vmem>>, vector<16xf32>,
        %mul3A_1423 = arith.mulf %add3A_658, %get3A_1422 : vector<16xf32>
        %add3A_1424 = arith.addf %mul3A_1405, %mul3A_1411 : vector<16xf32>
        %add3A_1425 = arith.addf %mul3A_1417, %mul3A_1423 : vector<16xf32>
        %add3A_1426 = arith.addf %add3A_1424, %add3A_1425 : vector<16xf32>
        %broadcast_in_dim3A_1427 = arith.constant true
        %broadcast_in_dim3A_1428 = vector.broadcast %broadcast_in_dim3A_1427 : i1 to vector<16xi1>
        %masked_cumsum3A_1429 = tpu.scan <sum>, %add3A_1426 masked %broadcast_in_dim3A_1428 : vector<16xf32>, vector<16xi1> -> vector<16xf32>
        %broadcast_in_dim3A_1430 = arith.constant 23 : i32
        %broadcast_in_dim3A_1431 = vector.broadcast %broadcast_in_dim3A_1430 : i32 to vector<16xi32>
        tpu.vector_store_idx %arg15[%broadcast_in_dim3A, %broadcast_in_dim3A_1431], %masked_cumsum3A_1429 masked %eq3A_2 : memref<32x26xf32, #tpu.memory_space<vmem>>[vector<16xi32>, vector<16xi32>], vector<16xf32>, vector<16xi1>
        %add3A_1432 = arith.constant 24 : i32
        %add3A_1433 = arith.addi %add3A_661, %add3A_1432 : i32
        %get3A_1434 = arith.index_cast %add3A_1433 : i32 to index
        %get3A_1435 = arith.constant 0 : index
        %get3A_1436 = tpu.vector_load %arg14[%get3A_1434, %get3A_1435] {strides = array<i32>} : memref<1024x64xf32, #tpu.memory_space<vmem>>, vector<16xf32>,
        %mul3A_1437 = arith.mulf %add3A_640, %get3A_1436 : vector<16xf32>
        %add3A_1438 = arith.constant 24 : i32
        %add3A_1439 = arith.addi %add3A_661, %add3A_1438 : i32
        %get3A_1440 = arith.index_cast %add3A_1439 : i32 to index
        %get3A_1441 = arith.constant 16 : index
        %get3A_1442 = tpu.vector_load %arg14[%get3A_1440, %get3A_1441] {strides = array<i32>} : memref<1024x64xf32, #tpu.memory_space<vmem>>, vector<16xf32>,
        %mul3A_1443 = arith.mulf %add3A_646, %get3A_1442 : vector<16xf32>
        %add3A_1444 = arith.constant 24 : i32
        %add3A_1445 = arith.addi %add3A_661, %add3A_1444 : i32
        %get3A_1446 = arith.index_cast %add3A_1445 : i32 to index
        %get3A_1447 = arith.constant 32 : index
        %get3A_1448 = tpu.vector_load %arg14[%get3A_1446, %get3A_1447] {strides = array<i32>} : memref<1024x64xf32, #tpu.memory_space<vmem>>, vector<16xf32>,
        %mul3A_1449 = arith.mulf %add3A_652, %get3A_1448 : vector<16xf32>
        %add3A_1450 = arith.constant 24 : i32
        %add3A_1451 = arith.addi %add3A_661, %add3A_1450 : i32
        %get3A_1452 = arith.index_cast %add3A_1451 : i32 to index
        %get3A_1453 = arith.constant 48 : index
        %get3A_1454 = tpu.vector_load %arg14[%get3A_1452, %get3A_1453] {strides = array<i32>} : memref<1024x64xf32, #tpu.memory_space<vmem>>, vector<16xf32>,
        %mul3A_1455 = arith.mulf %add3A_658, %get3A_1454 : vector<16xf32>
        %add3A_1456 = arith.addf %mul3A_1437, %mul3A_1443 : vector<16xf32>
        %add3A_1457 = arith.addf %mul3A_1449, %mul3A_1455 : vector<16xf32>
        %add3A_1458 = arith.addf %add3A_1456, %add3A_1457 : vector<16xf32>
        %broadcast_in_dim3A_1459 = arith.constant true
        %broadcast_in_dim3A_1460 = vector.broadcast %broadcast_in_dim3A_1459 : i1 to vector<16xi1>
        %masked_cumsum3A_1461 = tpu.scan <sum>, %add3A_1458 masked %broadcast_in_dim3A_1460 : vector<16xf32>, vector<16xi1> -> vector<16xf32>
        %broadcast_in_dim3A_1462 = arith.constant 24 : i32
        %broadcast_in_dim3A_1463 = vector.broadcast %broadcast_in_dim3A_1462 : i32 to vector<16xi32>
        tpu.vector_store_idx %arg15[%broadcast_in_dim3A, %broadcast_in_dim3A_1463], %masked_cumsum3A_1461 masked %eq3A_2 : memref<32x26xf32, #tpu.memory_space<vmem>>[vector<16xi32>, vector<16xi32>], vector<16xf32>, vector<16xi1>
        %add3A_1464 = arith.constant 25 : i32
        %add3A_1465 = arith.addi %add3A_661, %add3A_1464 : i32
        %get3A_1466 = arith.index_cast %add3A_1465 : i32 to index
        %get3A_1467 = arith.constant 0 : index
        %get3A_1468 = tpu.vector_load %arg14[%get3A_1466, %get3A_1467] {strides = array<i32>} : memref<1024x64xf32, #tpu.memory_space<vmem>>, vector<16xf32>,
        %mul3A_1469 = arith.mulf %add3A_640, %get3A_1468 : vector<16xf32>
        %add3A_1470 = arith.constant 25 : i32
        %add3A_1471 = arith.addi %add3A_661, %add3A_1470 : i32
        %get3A_1472 = arith.index_cast %add3A_1471 : i32 to index
        %get3A_1473 = arith.constant 16 : index
        %get3A_1474 = tpu.vector_load %arg14[%get3A_1472, %get3A_1473] {strides = array<i32>} : memref<1024x64xf32, #tpu.memory_space<vmem>>, vector<16xf32>,
        %mul3A_1475 = arith.mulf %add3A_646, %get3A_1474 : vector<16xf32>
        %add3A_1476 = arith.constant 25 : i32
        %add3A_1477 = arith.addi %add3A_661, %add3A_1476 : i32
        %get3A_1478 = arith.index_cast %add3A_1477 : i32 to index
        %get3A_1479 = arith.constant 32 : index
        %get3A_1480 = tpu.vector_load %arg14[%get3A_1478, %get3A_1479] {strides = array<i32>} : memref<1024x64xf32, #tpu.memory_space<vmem>>, vector<16xf32>,
        %mul3A_1481 = arith.mulf %add3A_652, %get3A_1480 : vector<16xf32>
        %add3A_1482 = arith.constant 25 : i32
        %add3A_1483 = arith.addi %add3A_661, %add3A_1482 : i32
        %get3A_1484 = arith.index_cast %add3A_1483 : i32 to index
        %get3A_1485 = arith.constant 48 : index
        %get3A_1486 = tpu.vector_load %arg14[%get3A_1484, %get3A_1485] {strides = array<i32>} : memref<1024x64xf32, #tpu.memory_space<vmem>>, vector<16xf32>,
        %mul3A_1487 = arith.mulf %add3A_658, %get3A_1486 : vector<16xf32>
        %add3A_1488 = arith.addf %mul3A_1469, %mul3A_1475 : vector<16xf32>
        %add3A_1489 = arith.addf %mul3A_1481, %mul3A_1487 : vector<16xf32>
        %add3A_1490 = arith.addf %add3A_1488, %add3A_1489 : vector<16xf32>
        %broadcast_in_dim3A_1491 = arith.constant true
        %broadcast_in_dim3A_1492 = vector.broadcast %broadcast_in_dim3A_1491 : i1 to vector<16xi1>
        %masked_cumsum3A_1493 = tpu.scan <sum>, %add3A_1490 masked %broadcast_in_dim3A_1492 : vector<16xf32>, vector<16xi1> -> vector<16xf32>
        %broadcast_in_dim3A_1494 = arith.constant 25 : i32
        %broadcast_in_dim3A_1495 = vector.broadcast %broadcast_in_dim3A_1494 : i32 to vector<16xi32>
        tpu.vector_store_idx %arg15[%broadcast_in_dim3A, %broadcast_in_dim3A_1495], %masked_cumsum3A_1493 masked %eq3A_2 : memref<32x26xf32, #tpu.memory_space<vmem>>[vector<16xi32>, vector<16xi32>], vector<16xf32>, vector<16xi1>
      }
      %scan3A_137 = arith.constant 16 : i32
      %mul3A_138 = arith.constant 16 : i32
      %mul3A_139 = arith.muli %rem3A_81, %mul3A_138 : i32
      %multiple_of3A_140 = tpu.assume_multiple %mul3A_139, 16 : i32
      %mul3A_141 = arith.constant 16 : i32
      %mul3A_142 = arith.muli %scan3A_80, %mul3A_141 : i32
      %add3A_143 = arith.addi %multiple_of3A_10, %mul3A_142 : i32
      %dma_start3A_144 = arith.constant 0 : i32
      %dma_start3A_145 = tpu.memref_slice %arg15[%multiple_of3A_140, %dma_start3A_144] : memref<32x26xf32, #tpu.memory_space<vmem>> -> memref<16x26xf32, #tpu.memory_space<vmem>>
      %dma_start3A_146 = arith.constant 0 : i32
      %dma_start3A_147 = tpu.memref_slice %arg8[%add3A_143, %dma_start3A_146] : memref<16384x26xf32, #tpu.memory_space<hbm>> -> memref<16x26xf32, #tpu.memory_space<hbm>>
      %dma_start3A_148 = arith.constant 0 : i32
      %dma_start3A_149 = tpu.memref_slice %arg8[%add3A_143, %dma_start3A_148] : memref<16384x26xf32, #tpu.memory_space<hbm>> -> memref<16x26xf32, #tpu.memory_space<hbm>>
      %dma_start3A_150 = arith.constant 0 : i32
      %dma_start3A_151 = tpu.memref_slice %arg15[%multiple_of3A_140, %dma_start3A_150] : memref<32x26xf32, #tpu.memory_space<vmem>> -> memref<16x26xf32, #tpu.memory_space<vmem>>
      tpu.enqueue_dma source(%dma_start3A_151 : memref<16x26xf32, #tpu.memory_space<vmem>>) target(%dma_start3A_149 : memref<16x26xf32, #tpu.memory_space<hbm>>) target_semaphore(%arg19 : memref<!tpu.dma_semaphore, #tpu.memory_space<semaphore_mem>>)
      %eq3A_152 = arith.constant 7 : i32
      %eq3A_153 = arith.cmpi eq, %rem3A_87, %eq3A_152 : i32
      %add3A_154 = arith.constant 1 : i32
      %add3A_155 = arith.addi %scan3A_80, %add3A_154 : i32
      %lt3A_156 = arith.constant 32 : i32
      %lt3A_157 = arith.cmpi slt, %add3A_155, %lt3A_156 : i32
      %and3A = arith.andi %eq3A_153, %lt3A_157 : i1
      %convert_element_type3A_158 = arith.extui %and3A : i1 to i32
      %cond3A_159 = arith.constant 0 : i32
      %cond3A_160 = arith.cmpi ne, %convert_element_type3A_158, %cond3A_159 : i32
      scf.if %cond3A_160 {
        %add3A_161 = arith.constant 1 : i32
        %add3A_162 = arith.addi %scan3A_80, %add3A_161 : i32
        %div3A = arith.constant 8 : i32
        %div3A_163 = arith.divsi %add3A_162, %div3A : i32
        %mul3A_164 = arith.constant 128 : i32
        %mul3A_165 = arith.muli %div3A_163, %mul3A_164 : i32
        %multiple_of3A_166 = tpu.assume_multiple %mul3A_165, 128 : i32
        %dma_start3A_167 = tpu.memref_slice %arg10[%multiple_of3A_166] : memref<512xi32, #tpu.memory_space<vmem>> -> memref<128xi32, #tpu.memory_space<vmem>>
        %dma_start3A_168 = arith.constant 0 : i32
        %dma_start3A_169 = arith.constant 0 : i32
        %dma_start3A_170 = tpu.memref_slice %arg5[%dma_start3A_168, %dma_start3A_169] : memref<100000x64xf32, #tpu.memory_space<hbm>> -> memref<100000x64xf32, #tpu.memory_space<hbm>>
        tpu.enqueue_indirect_dma source(%dma_start3A_170 : memref<100000x64xf32, #tpu.memory_space<hbm>>) target(%arg13 : memref<128x64xf32, #tpu.memory_space<vmem>>) offsets(%dma_start3A_167 : memref<128xi32, #tpu.memory_space<vmem>>) semaphore(%arg18 : memref<!tpu.dma_semaphore, #tpu.memory_space<semaphore_mem>>)
      } else {
      }
    }
    %scan3A_56 = arith.constant 32 : i32
    %multiple_of3A_57 = arith.constant 0 : i32
    %multiple_of3A_58 = tpu.assume_multiple %multiple_of3A_57, 16 : i32
    %add3A_59 = arith.constant 480 : i32
    %add3A_60 = arith.addi %multiple_of3A_10, %add3A_59 : i32
    %dma_wait3A = arith.constant 0 : i32
    %dma_wait3A_61 = tpu.memref_slice %arg15[%multiple_of3A_58, %dma_wait3A] : memref<32x26xf32, #tpu.memory_space<vmem>> -> memref<16x26xf32, #tpu.memory_space<vmem>>
    %dma_wait3A_62 = arith.constant 0 : i32
    %dma_wait3A_63 = tpu.memref_slice %arg8[%add3A_60, %dma_wait3A_62] : memref<16384x26xf32, #tpu.memory_space<hbm>> -> memref<16x26xf32, #tpu.memory_space<hbm>>
    %dma_wait3A_64 = arith.constant 0 : i32
    %dma_wait3A_65 = tpu.memref_slice %arg8[%add3A_60, %dma_wait3A_64] : memref<16384x26xf32, #tpu.memory_space<hbm>> -> memref<16x26xf32, #tpu.memory_space<hbm>>
    %dma_wait3A_66 = arith.constant 0 : i32
    %dma_wait3A_67 = tpu.memref_slice %arg15[%multiple_of3A_58, %dma_wait3A_66] : memref<32x26xf32, #tpu.memory_space<vmem>> -> memref<16x26xf32, #tpu.memory_space<vmem>>
    tpu.wait_dma2 semaphore(%arg19 : memref<!tpu.dma_semaphore, #tpu.memory_space<semaphore_mem>>) src(%dma_wait3A_67 : memref<16x26xf32, #tpu.memory_space<vmem>>) dst(%dma_wait3A_65 : memref<16x26xf32, #tpu.memory_space<hbm>>)
    %multiple_of3A_68 = arith.constant 16 : i32
    %multiple_of3A_69 = tpu.assume_multiple %multiple_of3A_68, 16 : i32
    %add3A_70 = arith.constant 496 : i32
    %add3A_71 = arith.addi %multiple_of3A_10, %add3A_70 : i32
    %dma_wait3A_72 = arith.constant 0 : i32
    %dma_wait3A_73 = tpu.memref_slice %arg15[%multiple_of3A_69, %dma_wait3A_72] : memref<32x26xf32, #tpu.memory_space<vmem>> -> memref<16x26xf32, #tpu.memory_space<vmem>>
    %dma_wait3A_74 = arith.constant 0 : i32
    %dma_wait3A_75 = tpu.memref_slice %arg8[%add3A_71, %dma_wait3A_74] : memref<16384x26xf32, #tpu.memory_space<hbm>> -> memref<16x26xf32, #tpu.memory_space<hbm>>
    %dma_wait3A_76 = arith.constant 0 : i32
    %dma_wait3A_77 = tpu.memref_slice %arg8[%add3A_71, %dma_wait3A_76] : memref<16384x26xf32, #tpu.memory_space<hbm>> -> memref<16x26xf32, #tpu.memory_space<hbm>>
    %dma_wait3A_78 = arith.constant 0 : i32
    %dma_wait3A_79 = tpu.memref_slice %arg15[%multiple_of3A_69, %dma_wait3A_78] : memref<32x26xf32, #tpu.memory_space<vmem>> -> memref<16x26xf32, #tpu.memory_space<vmem>>
    tpu.wait_dma2 semaphore(%arg19 : memref<!tpu.dma_semaphore, #tpu.memory_space<semaphore_mem>>) src(%dma_wait3A_79 : memref<16x26xf32, #tpu.memory_space<vmem>>) dst(%dma_wait3A_77 : memref<16x26xf32, #tpu.memory_space<hbm>>)
    return
  }
}

</mosaic_0001>

<sc_bundles>
// kernel: kernel.3.cloned.1.call-start
scs
__scs_entry_jumppad:
0x0: {  	(pc) =	sbr.rel $0x88, $3  }
0x1: {  	(tag) =	ssettag $0x0;
	lr =	simm.s32 $0x1  }
0x2: {  	[smem:$0x3F9B] =	sst lr;
	_ =	strace $0xD0000000  }
0x3: {  	_ = 	snop  }
0x4: {  	_ = 	snop  }
0x5: {  	_ = 	snop  }
0x6: {  	_ = 	snop  }
0x7: {  	_ = 	snop  }
__scs_overlays_trampoline_lowered:
0x8: {  	[smem:$0x3FAA] =	sst s0  }
0x9: {  	[smem:$0x3FAB] =	sst s1  }
0xa: {  	[smem:$0x3FAC] =	sst s2  }
0xb: {  	[smem:$0x3FAD] =	sst s3  }
0xc: {  	[smem:$0x3FAE] =	sst s4  }
0xd: {  	[smem:$0x3FAF] =	sst s5  }
0xe: {  	[smem:$0x3FB0] =	sst s6  }
0xf: {  	[smem:$0x3FB1] =	sst s7  }
0x10: {  	[smem:$0x3FB2] =	sst s8  }
0x11: {  	[smem:$0x3FB3] =	sst s9;
	s0 =	simm.s32 @!p0 $0x0  }
0x12: {  	s1 =	sld [smem:$0x3F99];
	s0 =	simm.s32 @p0 $0x1  }
0x13: {  	[smem:$0x3FB4] =	sst s0;
	s0 =	simm.s32 @!p1 $0x0  }
0x14: {  	s2 =	sld [smem:$0x3F98];
	s0 =	simm.s32 @p1 $0x1  }
0x15: {  	[smem:$0x3FB5] =	sst s0;
	s0 =	simm.s32 @!p2 $0x0  }
0x16: {  	s3 =	sld [smem:$0x3FDB];
	s0 =	simm.s32 @p2 $0x1  }
0x17: {  	s4 =	simm.s32 $0x1BF5;
	[smem:$0x3FB7] =	sst s0  }
0x18: {  	s0 =	sld [smem:$0x3F9A];
	_ =	swait.ge [sflag:s4], $0x0  }
0x19: {  	s7 =	sld [smem:$0x3F9B]  }
0x1a: {  	s8 =	sadd.s32 $0xFFFFE003, lr  }
0x1b: {  	s9 =	sadd.s32 $0xFFFFFEF7, lr;
	s5 =	simm.s32 $0xFFFFFFFF;
	p2 =	slt.u32 s8, $0xFFFFF086  }
0x1c: {  	p1 =	slt.u32 s9, $0xF7A;
	s5 =	simm.s32 @!p2 $0x0  }
0x1d: {  	s5 =	simm.s32 @p1 $0x1;
	p0 =	seq.s32 s7, s2  }
0x1e: {  	s7 =	smul.u32 @!p0 $0xF7A, s2;
	p2 =	seq.s32 @!p0 s5, $0x0  }
0x1f: {  	s9 =	smul.u32 $0xF7A, s1;
	s8 =	simm.s32 @!p0 $0x1BF5;
	p2 =	por !p2, p0  }
0x20: {  	[sflag:s8] =	ssyncset.s32 @!p0 $0xFFFFF086;
	s6 =	sadd.s32 @!p0 s3, s7;
	s7 =	simm.s32 @!p0 $0x108  }
0x21: {  	s3 =	sadd.s32 s3, s9;
	s6 =	sadd.s32 @!p0 $0x88, s6;
	s7 =	simm.s32 @p2 $0x1082  }
0x22: {  	[simem:s7], [sflag:s8] =	dma.local @!p0 [hbm:s6], $0xF7A  }
0x23: {  	s9 =	sor.u32 $0xD0000000, s2;
	s6 =	simm.s32 $0x108;
	_ =	swait.ge @!p0 [sflag:s8], $0x0  }
0x24: {  	s3 =	sadd.s32 $0x88, s3;
	s6 =	simm.s32 @!p1 $0x1082;
	[sflag:s4] =	ssyncset.s32 $0xFFFFF086  }
0x25: {  	[simem:s6], [sflag:s4] =	dma.local [hbm:s3], $0xF7A  }
0x26: {  	[smem:$0x3F9B] =	sst s1;
	(tag) =	ssettag s2;
	_ =	strace s9  }
0x27: {  	s1 =	sld [smem:$0x3FAB]  }
0x28: {  	s2 =	sld [smem:$0x3FAC]  }
0x29: {  	s4 =	sld [smem:$0x3FAE]  }
0x2a: {  	p0 =	seq.s32 s5, $0x0;
	s5 =	sld [smem:$0x3FAF]  }
0x2b: {  	s6 =	sld [smem:$0x3FB0]  }
0x2c: {  	s7 =	sld [smem:$0x3FB1]  }
0x2d: {  	s3 =	simm.s32 $0x108;
	s8 =	sld [smem:$0x3FB2]  }
0x2e: {  	s3 =	simm.s32 @!p0 $0x1082;
	s9 =	sld [smem:$0x3FB3]  }
0x2f: {  	lr =	sadd.s32 s0, s3;
	s0 =	sld [smem:$0x3FAA]  }
0x30: {  	s3 =	sld [smem:$0x3FAD]  }
0x31: {  	[smem:$0x3FB6] =	sst s10  }
0x32: {  	s10 =	sld [smem:$0x3FB4];
	_ =	sdelay $0x3  }
0x33: {  	p0 =	seq.s32 s10, $0x1;
	s10 =	sld [smem:$0x3FB6];
	_ =	sdelay $0x3  }
0x34: {  	[smem:$0x3FB6] =	sst s10  }
0x35: {  	s10 =	sld [smem:$0x3FB5];
	_ =	sdelay $0x3  }
0x36: {  	p1 =	seq.s32 s10, $0x1;
	s10 =	sld [smem:$0x3FB6];
	_ =	sdelay $0x3  }
0x37: {  	[smem:$0x3FB6] =	sst s10  }
0x38: {  	s10 =	sld [smem:$0x3FB7]  }
0x39: {  	_ = 	snop;
	(pc) =	sbr.ind lr, $3  }
0x3a: {  	_ = 	snop  }
0x3b: {  	_ = 	snop  }
0x3c: {  	p2 =	seq.s32 s10, $0x1;
	s10 =	sld [smem:$0x3FB6]  }
0x3d: {  	_ =	shalt  }
0x3e: {  	_ =	shalt  }
0x3f: {  	_ =	shalt  }
0x40: {  	_ =	shalt  }
0x41: {  	_ =	shalt  }
0x42: {  	_ =	shalt  }
0x43: {  	_ =	shalt  }
0x44: {  	_ =	shalt  }
0x45: {  	_ =	shalt  }
0x46: {  	_ =	shalt  }
0x47: {  	_ =	shalt  }
0x48: {  	_ =	shalt  }
0x49: {  	_ =	shalt  }
0x4a: {  	_ =	shalt  }
0x4b: {  	_ =	shalt  }
0x4c: {  	_ =	shalt  }
0x4d: {  	_ =	shalt  }
0x4e: {  	_ =	shalt  }
0x4f: {  	_ =	shalt  }
0x50: {  	_ =	shalt  }
0x51: {  	_ =	shalt  }
0x52: {  	_ =	shalt  }
0x53: {  	_ =	shalt  }
0x54: {  	_ =	shalt  }
0x55: {  	_ =	shalt  }
0x56: {  	_ =	shalt  }
0x57: {  	_ =	shalt  }
0x58: {  	_ =	shalt  }
0x59: {  	_ =	shalt  }
0x5a: {  	_ =	shalt  }
0x5b: {  	_ =	shalt  }
0x5c: {  	_ =	shalt  }
0x5d: {  	_ =	shalt  }
0x5e: {  	_ =	shalt  }
0x5f: {  	_ =	shalt  }
0x60: {  	_ =	shalt  }
0x61: {  	_ =	shalt  }
0x62: {  	_ =	shalt  }
0x63: {  	_ =	shalt  }
0x64: {  	_ =	shalt  }
0x65: {  	_ =	shalt  }
0x66: {  	_ =	shalt  }
0x67: {  	_ =	shalt  }
0x68: {  	_ =	shalt  }
0x69: {  	_ =	shalt  }
0x6a: {  	_ =	shalt  }
0x6b: {  	_ =	shalt  }
0x6c: {  	_ =	shalt  }
0x6d: {  	_ =	shalt  }
0x6e: {  	_ =	shalt  }
0x6f: {  	_ =	shalt  }
0x70: {  	_ =	shalt  }
0x71: {  	_ =	shalt  }
0x72: {  	_ =	shalt  }
0x73: {  	_ =	shalt  }
0x74: {  	_ =	shalt  }
0x75: {  	_ =	shalt  }
0x76: {  	_ =	shalt  }
0x77: {  	_ =	shalt  }
0x78: {  	_ =	shalt  }
0x79: {  	_ =	shalt  }
0x7a: {  	_ =	shalt  }
0x7b: {  	_ =	shalt  }
0x7c: {  	_ =	shalt  }
0x7d: {  	_ =	shalt  }
0x7e: {  	_ =	shalt  }
0x7f: {  	_ =	shalt  }
0x80: {  	_ =	shalt  }
0x81: {  	_ =	shalt  }
0x82: {  	_ =	shalt  }
0x83: {  	_ =	shalt  }
0x84: {  	_ =	shalt  }
0x85: {  	_ =	shalt  }
0x86: {  	_ =	shalt  }
0x87: {  	_ =	shalt  }
.Lfunc_end0:
.L_simem_size_0:
called_computation_lowered:
.L_overlay_start_0:
0x88: {  	s2 =	sld [smem:$0x3FD9]  }
0x89: {  	s3 =	sld [smem:$0x3FFE];
	_ =	sdelay $0x1  }
0x8a: {  	s1 =	srdreg.scid  }
0x8b: {  	s0 =	sand.u32 $0x1, s1  }
0x8c: {  	s17 =	sshll.u32 s0, $0xA;
	s2 =	sadd.s32 s3, s2  }
0x8d: {  	s2 =	sadd.s32 s2, s17  }
0x8e: {  	[smem:$0x3FC2] =	sst s2  }
0x8f: {  	_ = 	snop  }
0x90: {  	s2 =	sld [smem:$0x3FC8]  }
0x91: {  	s18 =	sld [smem:$0x3FD0];
	(tm) =	ssettm $0x1  }
0x92: {  	s4 =	sld [smem:$0x3FFB];
	_ =	sdelay $0x3  }
0x93: {  	_ =	strace s4  }
0x94: {  	s4 =	sld [smem:$0x3FFC];
	_ =	sdelay $0x3  }
0x95: {  	_ =	strace s4  }
0x96: {  	s4 =	sld [smem:$0x3FFD];
	_ =	sdelay $0x3  }
0x97: {  	_ =	strace s4  }
0x98: {  	_ =	strace $0x8FFFFFFF  }
0x99: {  	s19 =	sld [smem:$0x3FDB];
	_ =	sdelay $0x1  }
0x9a: {  	s5 =	simm.s32 $_scs_section_size  }
0x9b: {  	s6 =	simm.s32 $_size__tile_overlayer_lowered;
	s7 =	simm.s32 $_tile_overlayer_lowered  }
0x9c: {  	s22 =	simm.s32 $0x1BFF;
	s21 =	sshll.u32 s7, $0x1;
	s4 =	sadd.s32 s5, s19  }
0x9d: {  	s8 =	simm.s32 $0x0;
	s20 =	sshll.u32 s6, $0x1;
	s6 =	sadd.s32 s21, s4  }
0x9e: {  	[timem:s8], [sflag:s22] =	dma.local [hbm:s6], s20  }
0x9f: {  	_ =	swait.ge [sflag:s22], s20  }
0xa0: {  	s5 =	ssub.s32 $0x0, s20;
	[sflag:s22] =	ssyncset.done $0x0  }
0xa1: {  	[sflag:s22] =	ssyncadd.s32 s5;
	_ =	sdelay $0x1  }
0xa2: {  	s23 =	simm.s32 $0x1B8B  }
0xa3: {  	_ =	swait.ge [sflag:s23], $0x1  }
0xa4: {  	[sflag:s23] =	ssyncset.done $0x0  }
0xa5: {  	s25 =	simm.s32 $0x1B8E;
	s24 =	sld [smem:$0x3FFE];
	[sflag:s23] =	ssyncadd.s32 $0xFFFFFFFF  }
0xa6: {  	s26 =	simm.s32 $execute0_lowered;
	[smem:$0x3FD2] =	sst s25  }
0xa7: {  	s6 =	sshll.u32 s26, $0x1;
	_ =	strace $0x80000046;
	[dreg:$0x1] =	wrdreg $0xFFFFFFFF  }
0xa8: {  	s28 =	simm.s32 $_size_execute0_lowered;
	s4 =	sadd.s32 s4, s6;
	[dreg:$0x0] =	wrdreg $0x0  }
0xa9: {  	s6 =	sshll.u32 s28, $0x1;
	[dreg:$0x2] =	wrdreg s4  }
0xaa: {  	[dreg:$0x3] =	wrdreg s6  }
0xab: {  	[dreg:$0x4] =	wrdreg $0xC0  }
0xac: {  	_ =	task [dreg:s8], $0x5FFFF  }
0xad: {  	[dreg:$0x1] =	wrdreg $0xFFFFFFFF  }
0xae: {  	[dreg:$0x0] =	wrdreg $0x60  }
0xaf: {  	[dreg:$0x2] =	wrdreg s24  }
0xb0: {  	[dreg:$0x3] =	wrdreg s2  }
0xb1: {  	[dreg:$0x4] =	wrdreg s18  }
0xb2: {  	[dreg:$0x5] =	wrdreg $0x9  }
0xb3: {  	_ =	task.clear_ibuf [dreg:s8], $0x6FFFF;
	_ =	strace $0x90000046  }
0xb4: {  	s29 =	simm.s32 $0x9;
	_ =	strace $0x80000048  }
0xb5: {  	_ =	swait.ge [sflag:s29], $0x1  }
0xb6: {  	[sflag:s29] =	ssyncadd.s32 $0xFFFFFFFF  }
0xb7: {  	_ =	strace $0x90000048  }
0xb8: {  	_ =	sfence  }
0xb9: {  	s30 =	sld [smem:$0x0];
	_ =	sdelay $0x2  }
0xba: {  	s31 =	sshll.u32 s1, $0xD;
	s1 =	sshrl.u32 s1, $0x2  }
0xbb: {  	s3 =	sand.u32 $0x4000, s31;
	s1 =	sadd.s32 s1, s30  }
0xbc: {  	s0 =	sor.u32 s3, s0;
	s1 =	sshll.u32 s1, $0x11  }
0xbd: {  	s0 =	sor.u32 s1, s0  }
0xbe: {  	s0 =	sadd.s32 $0x8F2B, s0  }
0xbf: {  	[sflag:s0] =	ssyncadd.remote.s32 $0x1  }
0xc0: {  	_ =	sfence.sel $0xFFFF  }
0xc1: {  	[dreg:$0x0] =	wrdreg $0xFFFFFFFF;
	(pc) =	sbr.abs _section_cstart, $3  }
0xc2: {  	[dreg:$0x1] =	wrdreg $0xFFFFFFFF  }
0xc3: {  	_ =	task.clear_ibuf [dreg:s8], $0x2FFFF;
	_ =	strace $0x9FFFFFFF  }
0xc4: {  	(tm) =	ssettm $0x7FFFFFFF  }
0xc5: {  	_ =	shalt  }
tec
execute0_lowered:
.L_overlay_start_1:
0x0: {  	(tag) =	ssettag $0x1  }
0x1: {  	s0 =	rddreg [dreg:$0x0]  }
0x2: {  	s1 =	rddreg [dreg:$0x1]  }
0x3: {  	s10 =	rddreg [dreg:$0x2]  }
0x4: {  	s2 =	simm.s32 $0x0;
	s3 =	srdreg.scid;
	s4 =	stileid.u32  }
0x5: {  	s16 =	simm.s32 $0x5;
	s20 =	simm.s32 $0x180;
	s22 =	simm.s32 $0x200  }
0x6: {  	s25 =	simm.s32 $0x1;
	s26 =	simm.s32 $0x1E900;
	s28 =	simm.s32 $0x4  }
0x7: {  	s29 =	simm.s32 $0x2;
	s30 =	simm.s32 $0x0;
	[smem:$0x7FF] =	sst s2  }
0x8: {  	s8 =	sand.u32 $0x1, s3;
	s3 =	sadd.s32 $0x30FA00, s0;
	s5 =	sadd.s32 $0x24C400, s0  }
0x9: {  	s4 =	sshll.u32 s4, $0x1;
	s7 =	sadd.s32 $0x188E00, s0;
	_ =	strace $0x80000047  }
0xa: {  	s9 =	sor.u32 s8, s4;
	s4 =	sadd.s32 $0x2400, s0;
	s8 =	ssub.s32 $0x2, s8  }
0xb: {  	s6 =	smul.u32 $0x3000, s9;
	s11 =	sshll.u32 s9, $0xB;
	s12 =	sshrl.u32 s8, $0x1  }
0xc: {  	s9 =	sshll.u32 s9, $0x6;
	s0 =	sadd.s32 s11, s0;
	s14 =	ssub.s32 s8, s12  }
0xd: {  	s1 =	sadd.s32 s1, s9;
	s10 =	sadd.s32 s10, s11;
	s13 =	sshrl.u32 s6, $0x3  }
0xe: {  	[dreg:$0x4] =	wrdreg s1;
	s12 =	sadd.s32 $0x40, s10;
	s8 =	sadd.s32 s4, s13  }
0xf: {  	vm0 =	vcmask $0x3F3C;
	s14 =	smax.u32 s14, $0x1;
	s13 =	sadd.s32 $0xE400, s0;
	s11 =	sadd.s32 $0x30, s8  }
.LBB2_1:
0x10: {  	s0 =	rddreg [dreg:$0x4];
	s1 =	simm.s32 $0x300  }
0x11: {  	[tilespmem:s1], [sflag:$0x5] =	stream.linear.gather [hbm4b:s0+s2], $0x200, $0x38;
	[tilespmem:$0x1ED00] =	vst v63  }
0x12: {  	_ =	swait.ge [sflag:s16], $0x200  }
0x13: {  	[sflag:s16] =	ssyncset.done $0x0  }
0x14: {  	s18 =	simm.s32 $0x80;
	s9 =	simm.s32 $0xC900;
	[sflag:s16] =	ssyncadd.s32 $0xFFFFFE00  }
0x15: {  	[tilespmem:s9], [sflag:$0x3] =	stream.indirect.gather [hbm4b:s3+s18], $0x40, s1, s18, $0xb8;
	[tilespmem:$0x1ED00] =	vst v63  }
0x16: {  	_ = 	snop  }
0x17: {  	[tilespmem:s2], [sflag:$0x5] =	stream.linear.gather [hbm4b:s8+s2], $0x180, $0x38;
	[tilespmem:$0x1ED00] =	vst v63  }
0x18: {  	_ =	swait.ge [sflag:s16], $0x180  }
0x19: {  	[sflag:s16] =	ssyncset.done $0x0  }
0x1a: {  	s19 =	simm.s32 $0x500;
	[sflag:s16] =	ssyncadd.s32 $0xFFFFFE80  }
0x1b: {  	[tilespmem:s19], [sflag:$0x5] =	stream.linear.gather [hbm4b:s10+s2], $0x200, $0x38;
	[tilespmem:$0x1ED00] =	vst v63  }
0x1c: {  	_ =	swait.ge [sflag:s16], $0x200  }
0x1d: {  	[sflag:s16] =	ssyncset.done $0x0  }
0x1e: {  	s21 =	simm.s32 $0x900;
	[sflag:s16] =	ssyncadd.s32 $0xFFFFFE00  }
0x1f: {  	[tilespmem:s21], [sflag:$0x1] =	stream.indirect.gather [hbm4b:s5+s20], $0x40, s2, s20, $0xb8;
	[tilespmem:$0x1ED00] =	vst v63  }
0x20: {  	s23 =	simm.s32 $0xE900  }
0x21: {  	[tilespmem:s23], [sflag:$0x1] =	stream.indirect.gather [hbm4b:s7+s22], $0x40, s19, s22, $0xb8;
	[tilespmem:$0x1ED00] =	vst v63  }
0x22: {  	s24 =	simm.s32 $0x700  }
0x23: {  	[tilespmem:s20], [sflag:$0x2] =	stream.linear.gather [hbm4b:s11+s2], $0x180, $0x38;
	[tilespmem:$0x1ED00] =	vst v63  }
0x24: {  	p0 =	por $0x0, $0x0;
	s31 =	simm.s32 $0x0;
	s1 =	simm.s32 $0x0  }
0x25: {  	[tilespmem:s24], [sflag:$0x2] =	stream.linear.gather [hbm4b:s12+s2], $0x200, $0x38;
	[tilespmem:$0x1ED00] =	vst v63  }
.LBB2_2:
0x26: {  	s0 =	sand.u32 $0x7, s1  }
0x27: {  	p1 =	sne.s32 s0, $0x0  }
0x28: {  	s15 =	simm.s32 @!p1 $0x3  }
0x29: {  	_ =	swait.ge @!p1 [sflag:s15], $0x2000  }
0x2a: {  	[sflag:s15] =	ssyncset.done @!p1 $0x0  }
0x2b: {  	[sflag:s15] =	ssyncadd.s32 @!p1 $0xFFFFE000  }
0x2c: {  	_ =	swait.ge [sflag:s25], $0x6000  }
0x2d: {  	p1 =	slt.u32 s1, $0x2;
	[sflag:s25] =	ssyncset.done $0x0  }
0x2e: {  	p2 =	seq.s32 @!p1 s1, $0x1F;
	[sflag:s25] =	ssyncadd.s32 $0xFFFFA000  }
0x2f: {  	p2 =	por p1, !p2;
	_ =	swait.ge [sflag:s25], $0x8000  }
.Ltmp0:
0x30: {  	[sflag:s25] =	ssyncset.done $0x0;
	(pc) =	sbr.rel @!p2 .LBB2_4-.Ltmp0, $4  }
0x31: {  	s15 =	simm.s32 @!p1 $0x4;
	[sflag:s25] =	ssyncadd.s32 $0xFFFF8000  }
0x32: {  	_ =	swait.ge @!p1 [sflag:s15], $0x200  }
0x33: {  	s18 =	sand.u32 $0x1, s1;
	[sflag:s15] =	ssyncset.done @!p1 $0x0  }
0x34: {  	s17 =	sadd.s32 $0x1, s1;
	[sflag:s15] =	ssyncadd.s32 @!p1 $0xFFFFFE00;
	p1 =	por @!p1 $0x0, $0x0  }
0x35: {  	_ =	swait.ge [sflag:s29], $0x180  }
0x36: {  	s15 =	sand.u32 $0x1, s17;
	[sflag:s29] =	ssyncset.done $0x0  }
0x37: {  	s19 =	smul.u32 $0x18000, s15;
	[sflag:s29] =	ssyncadd.s32 $0xFFFFFE80  }
0x38: {  	s21 =	smul.u32 $0x600, s15;
	_ =	swait.ge [sflag:s29], $0x200  }
0x39: {  	p2 =	sgt.u32 s1, $0x1D;
	s19 =	sshrl.u32 s19, $0x2;
	[sflag:s29] =	ssyncset.done $0x0  }
0x3a: {  	s21 =	sshrl.u32 s21, $0x2;
	s19 =	sor.u32 $0x900, s19;
	[sflag:s29] =	ssyncadd.s32 $0xFFFFFE00  }
0x3b: {  	[tilespmem:s19], [sflag:$0x1] =	stream.indirect.gather [hbm4b:s5+s20], $0x40, s21, s20, $0xb8;
	[tilespmem:$0x1ED00] =	vst v63  }
0x3c: {  	s24 =	sshll.u32 s15, $0x9;
	s15 =	sshll.u32 s15, $0xF;
	s21 =	sadd.s32 @!p2 $0x2, s1  }
0x3d: {  	s15 =	sadd.s32 $0xE900, s15;
	s19 =	sor.u32 $0x500, s24;
	s23 =	smul.u32 @!p2 $0x180, s21  }
0x3e: {  	[tilespmem:s15], [sflag:$0x1] =	stream.indirect.gather [hbm4b:s7+s22], $0x40, s19, s22, $0xb8;
	[tilespmem:$0x1ED00] =	vst v63  }
0x3f: {  	s15 =	smul.u32 @!p2 $0x600, s18;
	s19 =	sadd.s32 @!p2 s6, s23  }
0x40: {  	p1 =	por $0x1, $0x1;
	s19 =	sshrl.u32 @!p2 s19, $0x3  }
0x41: {  	s23 =	simm.s32 @!p2 $0x0;
	s15 =	sshrl.u32 @!p2 s15, $0x2;
	s19 =	sadd.s32 @!p2 s4, s19  }
0x42: {  	[tilespmem:s15], [sflag:$0x2] =	stream.linear.gather @!p2 [hbm4b:s19+s23], $0x180, $0x38;
	[tilespmem:$0x1ED00] =	vst v63  }
0x43: {  	p3 =	por @!p2 $0x1, $0x1;
	s15 =	sshll.u32 @!p2 s18, $0x9;
	s19 =	sshll.u32 @!p2 s21, $0x6  }
0x44: {  	p1 =	por @!p2 p3, p3;
	s15 =	sor.u32 @!p2 $0x500, s15;
	s19 =	sadd.s32 @!p2 s19, s10  }
0x45: {  	[tilespmem:s15], [sflag:$0x2] =	stream.linear.gather @!p2 [hbm4b:s19+s23], $0x200, $0x38;
	[tilespmem:$0x1ED00] =	vst v63  }
.LBB2_4:
0x46: {  	s15 =	simm.s32 $0x1  }
0x47: {  	s15 =	simm.s32 @!p0 $0x0  }
0x48: {  	s24 =	sand.u32 $0x7, s31;
	s19 =	smul.u32 $0x18000, s15  }
0x49: {  	s24 =	sshll.u32 s24, $0xA;
	s21 =	sshll.u32 s15, $0x4  }
0x4a: {  	s15 =	sshll.u32 s15, $0xF;
	s24 =	sadd.s32 $0xC920, s24;
	s19 =	sshrl.u32 s19, $0x2  }
0x4b: {  	s23 =	sadd.s32 $0xEC40, s15;
	s15 =	sor.u32 $0xB80, s19;
	s19 =	simm.s32 $0x0  }
.LBB2_5:
0x4c: {  	v0 =	vld [tilespmem:s24+$0xFFFFFFE0]  }
0x4d: {  	v1 =	vld [tilespmem:s24+$0xFFFFFFF0]  }
0x4e: {  	v2 =	vld [tilespmem:s24+$0x0]  }
0x4f: {  	v3 =	vld [tilespmem:s24+$0x10]  }
0x50: {  	v4 =	vld [tilespmem:s15+$0xFFFFFD80]  }
0x51: {  	v5 =	vld [tilespmem:s15+$0xFFFFFD90]  }
0x52: {  	v6 =	vld [tilespmem:s15+$0xFFFFFDA0]  }
0x53: {  	v7 =	vld [tilespmem:s15+$0xFFFFFDB0]  }
0x54: {  	v8 =	vld [tilespmem:s15+$0xFFFFFDC0]  }
0x55: {  	v9 =	vld [tilespmem:s15+$0xFFFFFDD0]  }
0x56: {  	v10 =	vld [tilespmem:s15+$0xFFFFFDE0]  }
0x57: {  	v11 =	vld [tilespmem:s15+$0xFFFFFDF0]  }
0x58: {  	v12 =	vld [tilespmem:s15+$0xFFFFFE00]  }
0x59: {  	v13 =	vld [tilespmem:s15+$0xFFFFFE10]  }
0x5a: {  	v14 =	vld [tilespmem:s15+$0xFFFFFE20]  }
0x5b: {  	v15 =	vld [tilespmem:s15+$0xFFFFFE30]  }
0x5c: {  	v16 =	vld [tilespmem:s15+$0xFFFFFE40]  }
0x5d: {  	v17 =	vld [tilespmem:s15+$0xFFFFFE50]  }
0x5e: {  	v18 =	vld [tilespmem:s15+$0xFFFFFE60]  }
0x5f: {  	v19 =	vld [tilespmem:s15+$0xFFFFFE70]  }
0x60: {  	v20 =	vld [tilespmem:s15+$0xFFFFFE80]  }
0x61: {  	v21 =	vld [tilespmem:s15+$0xFFFFFE90]  }
0x62: {  	v22 =	vld [tilespmem:s15+$0xFFFFFEA0]  }
0x63: {  	v23 =	vld [tilespmem:s15+$0xFFFFFEB0]  }
0x64: {  	v24 =	vld [tilespmem:s15+$0xFFFFFEC0]  }
0x65: {  	v25 =	vld [tilespmem:s15+$0xFFFFFED0]  }
0x66: {  	v26 =	vld [tilespmem:s15+$0xFFFFFEE0]  }
0x67: {  	v27 =	vld [tilespmem:s15+$0xFFFFFEF0]  }
0x68: {  	v28 =	vld [tilespmem:s15+$0xFFFFFF00]  }
0x69: {  	v29 =	vld [tilespmem:s15+$0xFFFFFF10]  }
0x6a: {  	v30 =	vld [tilespmem:s15+$0xFFFFFF20]  }
0x6b: {  	v31 =	vld [tilespmem:s15+$0xFFFFFF30]  }
0x6c: {  	v32 =	vld [tilespmem:s15+$0xFFFFFF40]  }
0x6d: {  	v33 =	vld [tilespmem:s15+$0xFFFFFF50]  }
0x6e: {  	v34 =	vld [tilespmem:s15+$0xFFFFFF60]  }
0x6f: {  	v35 =	vld [tilespmem:s15+$0xFFFFFF70]  }
0x70: {  	v36 =	vld [tilespmem:s15+$0xFFFFFF80]  }
0x71: {  	v37 =	vld [tilespmem:s15+$0xFFFFFF90]  }
0x72: {  	v38 =	vld [tilespmem:s15+$0xFFFFFFA0]  }
0x73: {  	v39 =	vld [tilespmem:s15+$0xFFFFFFB0]  }
0x74: {  	v40 =	vld [tilespmem:s15+$0xFFFFFFC0]  }
0x75: {  	v41 =	vld [tilespmem:s15+$0xFFFFFFD0]  }
0x76: {  	v42 =	vld [tilespmem:s15+$0xFFFFFFE0]  }
0x77: {  	v43 =	vld [tilespmem:s15+$0xFFFFFFF0]  }
0x78: {  	v44 =	vld [tilespmem:s15+$0x0]  }
0x79: {  	v45 =	vld [tilespmem:s15+$0x10]  }
0x7a: {  	v46 =	vld [tilespmem:s15+$0x20]  }
0x7b: {  	v47 =	vld [tilespmem:s15+$0x30]  }
0x7c: {  	v48 =	vld [tilespmem:s15+$0x40]  }
0x7d: {  	v49 =	vld [tilespmem:s15+$0x50]  }
0x7e: {  	v50 =	vld [tilespmem:s15+$0x60]  }
0x7f: {  	v51 =	vld [tilespmem:s15+$0x100];
	v0 =	vadd.f32 v4, v0;
	v1 =	vadd.f32 v5, v1  }
0x80: {  	v52 =	vld [tilespmem:s15+$0x110];
	v2 =	vadd.f32 v6, v2;
	v3 =	vadd.f32 v7, v3  }
0x81: {  	v53 =	vld [tilespmem:s15+$0x120];
	v0 =	vadd.f32 v8, v0;
	v1 =	vadd.f32 v9, v1  }
0x82: {  	v54 =	vld [tilespmem:s15+$0x130];
	v2 =	vadd.f32 v10, v2;
	v3 =	vadd.f32 v11, v3  }
0x83: {  	v55 =	vld [tilespmem:s15+$0x140];
	v0 =	vadd.f32 v12, v0;
	v1 =	vadd.f32 v13, v1  }
0x84: {  	v56 =	vld [tilespmem:s15+$0x150];
	v2 =	vadd.f32 v14, v2;
	v3 =	vadd.f32 v15, v3  }
0x85: {  	v57 =	vld [tilespmem:s15+$0x160];
	v0 =	vadd.f32 v16, v0;
	v1 =	vadd.f32 v17, v1  }
0x86: {  	v58 =	vld [tilespmem:s15+$0x170];
	v2 =	vadd.f32 v18, v2;
	v3 =	vadd.f32 v19, v3  }
0x87: {  	v59 =	vld [tilespmem:s15+$0x180];
	v0 =	vadd.f32 v20, v0;
	v1 =	vadd.f32 v21, v1  }
0x88: {  	v60 =	vld [tilespmem:s15+$0x190];
	v2 =	vadd.f32 v22, v2;
	v3 =	vadd.f32 v23, v3  }
0x89: {  	v61 =	vld [tilespmem:s15+$0x1A0];
	v0 =	vadd.f32 v24, v0;
	v1 =	vadd.f32 v25, v1  }
0x8a: {  	v62 =	vld [tilespmem:s15+$0x1B0];
	v2 =	vadd.f32 v26, v2;
	v3 =	vadd.f32 v27, v3  }
0x8b: {  	v63 =	vld [tilespmem:s15+$0x1C0];
	v0 =	vadd.f32 v28, v0;
	v1 =	vadd.f32 v29, v1  }
0x8c: {  	v4 =	vld [tilespmem:s15+$0x70];
	v2 =	vadd.f32 v30, v2;
	v3 =	vadd.f32 v31, v3  }
0x8d: {  	v5 =	vld [tilespmem:s15+$0x80];
	v0 =	vadd.f32 v32, v0;
	v1 =	vadd.f32 v33, v1  }
0x8e: {  	v6 =	vld [tilespmem:s15+$0x90];
	v2 =	vadd.f32 v34, v2;
	v3 =	vadd.f32 v35, v3  }
0x8f: {  	v7 =	vld [tilespmem:s15+$0xA0];
	v0 =	vadd.f32 v36, v0;
	v1 =	vadd.f32 v37, v1  }
0x90: {  	v8 =	vld [tilespmem:s15+$0xB0];
	v2 =	vadd.f32 v38, v2;
	v3 =	vadd.f32 v39, v3  }
0x91: {  	v9 =	vld [tilespmem:s15+$0xC0];
	v0 =	vadd.f32 v40, v0;
	v1 =	vadd.f32 v41, v1  }
0x92: {  	v10 =	vld [tilespmem:s15+$0xD0];
	v2 =	vadd.f32 v42, v2;
	v3 =	vadd.f32 v43, v3  }
0x93: {  	v11 =	vld [tilespmem:s15+$0xE0];
	v0 =	vadd.f32 v44, v0;
	v1 =	vadd.f32 v45, v1  }
0x94: {  	v12 =	vld [tilespmem:s15+$0xF0];
	v2 =	vadd.f32 v46, v2;
	v3 =	vadd.f32 v47, v3  }
0x95: {  	v28 =	vld [tilespmem:s15+$0x1D0];
	v0 =	vadd.f32 v48, v0;
	v1 =	vadd.f32 v49, v1  }
0x96: {  	v29 =	vld [tilespmem:s15+$0x1E0];
	v2 =	vadd.f32 v50, v2;
	v3 =	vadd.f32 v4, v3  }
0x97: {  	v30 =	vld [tilespmem:s15+$0x1F0];
	v0 =	vadd.f32 v5, v0;
	v1 =	vadd.f32 v6, v1  }
0x98: {  	v31 =	vld [tilespmem:s15+$0x200];
	v2 =	vadd.f32 v7, v2;
	v3 =	vadd.f32 v8, v3  }
0x99: {  	v32 =	vld [tilespmem:s15+$0x210];
	v0 =	vadd.f32 v9, v0;
	v1 =	vadd.f32 v10, v1  }
0x9a: {  	v33 =	vld [tilespmem:s15+$0x220];
	v2 =	vadd.f32 v11, v2;
	v3 =	vadd.f32 v12, v3  }
0x9b: {  	v34 =	vld [tilespmem:s15+$0x230];
	v0 =	vadd.f32 v51, v0;
	v1 =	vadd.f32 v52, v1  }
0x9c: {  	v35 =	vld [tilespmem:s15+$0x240];
	v2 =	vadd.f32 v53, v2;
	v3 =	vadd.f32 v54, v3  }
0x9d: {  	v36 =	vld [tilespmem:s15+$0x250];
	v0 =	vadd.f32 v55, v0;
	v1 =	vadd.f32 v56, v1  }
0x9e: {  	v37 =	vld [tilespmem:s15+$0x260];
	v2 =	vadd.f32 v57, v2;
	v3 =	vadd.f32 v58, v3  }
0x9f: {  	v38 =	vld [tilespmem:s15+$0x270];
	v0 =	vadd.f32 v59, v0;
	v1 =	vadd.f32 v60, v1  }
0xa0: {  	v39 =	vld [tilespmem:s23+$0xFFFFFCC0];
	v2 =	vadd.f32 v61, v2;
	v3 =	vadd.f32 v62, v3  }
0xa1: {  	v40 =	vld [tilespmem:s23+$0xFFFFFCD0];
	v0 =	vadd.f32 v63, v0;
	v1 =	vadd.f32 v28, v1  }
0xa2: {  	v41 =	vld [tilespmem:s23+$0xFFFFFCE0];
	v2 =	vadd.f32 v29, v2;
	v3 =	vadd.f32 v30, v3  }
0xa3: {  	v42 =	vld [tilespmem:s23+$0xFFFFFCF0];
	v0 =	vadd.f32 v31, v0;
	v1 =	vadd.f32 v32, v1  }
0xa4: {  	v2 =	vadd.f32 v33, v2;
	v3 =	vadd.f32 v34, v3  }
0xa5: {  	v0 =	vadd.f32 v35, v0;
	v1 =	vadd.f32 v36, v1  }
0xa6: {  	v2 =	vadd.f32 v37, v2;
	v3 =	vadd.f32 v38, v3  }
0xa7: {  	v43 =	vmul.f32 v39, v0;
	v44 =	vmul.f32 v40, v1  }
0xa8: {  	v4 =	vmul.f32 v41, v2;
	v5 =	vmul.f32 v42, v3;
	_ =	sdelay $0x1  }
0xa9: {  	v6 =	vadd.f32 v44, v43;
	v4 =	vadd.f32 v5, v4;
	_ =	sdelay $0x1  }
0xaa: {  	v4 =	vadd.f32 v4, v6;
	_ =	sdelay $0x1  }
0xab: {  	(xrf2) =	vadd.scan.msk.f32 $0xffff, v4;
	_ =	sdelay $0x3  }
0xac: {  	s9 =	sadd.s32 s19, s21  }
0xad: {  	s9 =	sshll.u32 s9, $0x5  }
0xae: {  	v4 =	vmov s9;
	_ =	sdelay $0x3  }
0xaf: {  	v45, _, _ =	vpop (xrf2)  }
0xb0: {  	[tilespmem:v4+s26+$0x0] =	vst.idx.msk vm0, v45  }
0xb1: {  	v5 =	vld [tilespmem:s23+$0xFFFFFD00]  }
0xb2: {  	v46 =	vld [tilespmem:s23+$0xFFFFFD10]  }
0xb3: {  	v47 =	vld [tilespmem:s23+$0xFFFFFD20]  }
0xb4: {  	v48 =	vld [tilespmem:s23+$0xFFFFFD30];
	_ =	sdelay $0x3  }
0xb5: {  	v5 =	vmul.f32 v5, v0;
	v6 =	vmul.f32 v46, v1  }
0xb6: {  	v7 =	vmul.f32 v47, v2;
	v8 =	vmul.f32 v48, v3;
	_ =	sdelay $0x1  }
0xb7: {  	v5 =	vadd.f32 v6, v5;
	v49 =	vadd.f32 v8, v7;
	_ =	sdelay $0x1  }
0xb8: {  	v5 =	vadd.f32 v49, v5;
	_ =	sdelay $0x1  }
0xb9: {  	(xrf2) =	vadd.scan.msk.f32 $0xffff, v5;
	_ =	sdelay $0x5  }
0xba: {  	v50 =	vor.u32 $0x1, v4;
	_ =	sdelay $0x3  }
0xbb: {  	v51, _, _ =	vpop (xrf2)  }
0xbc: {  	[tilespmem:v50+s26+$0x0] =	vst.idx.msk vm0, v51  }
0xbd: {  	v5 =	vld [tilespmem:s23+$0xFFFFFD40]  }
0xbe: {  	v6 =	vld [tilespmem:s23+$0xFFFFFD50]  }
0xbf: {  	v52 =	vld [tilespmem:s23+$0xFFFFFD60]  }
0xc0: {  	v53 =	vld [tilespmem:s23+$0xFFFFFD70];
	_ =	sdelay $0x3  }
0xc1: {  	v5 =	vmul.f32 v5, v0;
	v6 =	vmul.f32 v6, v1  }
0xc2: {  	v7 =	vmul.f32 v52, v2;
	v8 =	vmul.f32 v53, v3;
	_ =	sdelay $0x1  }
0xc3: {  	v5 =	vadd.f32 v6, v5;
	v54 =	vadd.f32 v8, v7;
	_ =	sdelay $0x1  }
0xc4: {  	v5 =	vadd.f32 v54, v5;
	_ =	sdelay $0x1  }
0xc5: {  	(xrf2) =	vadd.scan.msk.f32 $0xffff, v5;
	_ =	sdelay $0x5  }
0xc6: {  	v55 =	vor.u32 $0x2, v4;
	_ =	sdelay $0x3  }
0xc7: {  	v56, _, _ =	vpop (xrf2)  }
0xc8: {  	[tilespmem:v55+s26+$0x0] =	vst.idx.msk vm0, v56  }
0xc9: {  	v5 =	vld [tilespmem:s23+$0xFFFFFD80]  }
0xca: {  	v6 =	vld [tilespmem:s23+$0xFFFFFD90]  }
0xcb: {  	v57 =	vld [tilespmem:s23+$0xFFFFFDA0]  }
0xcc: {  	v58 =	vld [tilespmem:s23+$0xFFFFFDB0];
	_ =	sdelay $0x3  }
0xcd: {  	v5 =	vmul.f32 v5, v0;
	v6 =	vmul.f32 v6, v1  }
0xce: {  	v7 =	vmul.f32 v57, v2;
	v8 =	vmul.f32 v58, v3;
	_ =	sdelay $0x1  }
0xcf: {  	v5 =	vadd.f32 v6, v5;
	v59 =	vadd.f32 v8, v7;
	_ =	sdelay $0x1  }
0xd0: {  	v5 =	vadd.f32 v59, v5;
	_ =	sdelay $0x1  }
0xd1: {  	(xrf2) =	vadd.scan.msk.f32 $0xffff, v5;
	_ =	sdelay $0x5  }
0xd2: {  	v60 =	vor.u32 $0x3, v4;
	_ =	sdelay $0x3  }
0xd3: {  	v61, _, _ =	vpop (xrf2)  }
0xd4: {  	[tilespmem:v60+s26+$0x0] =	vst.idx.msk vm0, v61  }
0xd5: {  	v5 =	vld [tilespmem:s23+$0xFFFFFDC0]  }
0xd6: {  	v6 =	vld [tilespmem:s23+$0xFFFFFDD0]  }
0xd7: {  	v62 =	vld [tilespmem:s23+$0xFFFFFDE0]  }
0xd8: {  	v63 =	vld [tilespmem:s23+$0xFFFFFDF0];
	_ =	sdelay $0x3  }
0xd9: {  	v5 =	vmul.f32 v5, v0;
	v6 =	vmul.f32 v6, v1  }
0xda: {  	v7 =	vmul.f32 v62, v2;
	v8 =	vmul.f32 v63, v3;
	_ =	sdelay $0x1  }
0xdb: {  	v5 =	vadd.f32 v6, v5;
	v9 =	vadd.f32 v8, v7;
	_ =	sdelay $0x1  }
0xdc: {  	v5 =	vadd.f32 v9, v5;
	_ =	sdelay $0x1  }
0xdd: {  	(xrf2) =	vadd.scan.msk.f32 $0xffff, v5;
	_ =	sdelay $0x5  }
0xde: {  	v10 =	vor.u32 $0x4, v4;
	_ =	sdelay $0x3  }
0xdf: {  	v11, _, _ =	vpop (xrf2)  }
0xe0: {  	[tilespmem:v10+s26+$0x0] =	vst.idx.msk vm0, v11  }
0xe1: {  	v5 =	vld [tilespmem:s23+$0xFFFFFE00]  }
0xe2: {  	v6 =	vld [tilespmem:s23+$0xFFFFFE10]  }
0xe3: {  	v12 =	vld [tilespmem:s23+$0xFFFFFE20]  }
0xe4: {  	v13 =	vld [tilespmem:s23+$0xFFFFFE30];
	_ =	sdelay $0x3  }
0xe5: {  	v5 =	vmul.f32 v5, v0;
	v6 =	vmul.f32 v6, v1  }
0xe6: {  	v7 =	vmul.f32 v12, v2;
	v8 =	vmul.f32 v13, v3;
	_ =	sdelay $0x1  }
0xe7: {  	v5 =	vadd.f32 v6, v5;
	v14 =	vadd.f32 v8, v7;
	_ =	sdelay $0x1  }
0xe8: {  	v5 =	vadd.f32 v14, v5;
	_ =	sdelay $0x1  }
0xe9: {  	(xrf2) =	vadd.scan.msk.f32 $0xffff, v5;
	_ =	sdelay $0x5  }
0xea: {  	v15 =	vor.u32 $0x5, v4;
	_ =	sdelay $0x3  }
0xeb: {  	v16, _, _ =	vpop (xrf2)  }
0xec: {  	[tilespmem:v15+s26+$0x0] =	vst.idx.msk vm0, v16  }
0xed: {  	v5 =	vld [tilespmem:s23+$0xFFFFFE40]  }
0xee: {  	v6 =	vld [tilespmem:s23+$0xFFFFFE50]  }
0xef: {  	v17 =	vld [tilespmem:s23+$0xFFFFFE60]  }
0xf0: {  	v18 =	vld [tilespmem:s23+$0xFFFFFE70];
	_ =	sdelay $0x3  }
0xf1: {  	v5 =	vmul.f32 v5, v0;
	v6 =	vmul.f32 v6, v1  }
0xf2: {  	v7 =	vmul.f32 v17, v2;
	v8 =	vmul.f32 v18, v3;
	_ =	sdelay $0x1  }
0xf3: {  	v5 =	vadd.f32 v6, v5;
	v19 =	vadd.f32 v8, v7;
	_ =	sdelay $0x1  }
0xf4: {  	v5 =	vadd.f32 v19, v5;
	_ =	sdelay $0x1  }
0xf5: {  	(xrf2) =	vadd.scan.msk.f32 $0xffff, v5;
	_ =	sdelay $0x5  }
0xf6: {  	v20 =	vor.u32 $0x6, v4;
	_ =	sdelay $0x3  }
0xf7: {  	v21, _, _ =	vpop (xrf2)  }
0xf8: {  	[tilespmem:v20+s26+$0x0] =	vst.idx.msk vm0, v21  }
0xf9: {  	v5 =	vld [tilespmem:s23+$0xFFFFFE80]  }
0xfa: {  	v6 =	vld [tilespmem:s23+$0xFFFFFE90]  }
0xfb: {  	v22 =	vld [tilespmem:s23+$0xFFFFFEA0]  }
0xfc: {  	v23 =	vld [tilespmem:s23+$0xFFFFFEB0];
	_ =	sdelay $0x3  }
0xfd: {  	v5 =	vmul.f32 v5, v0;
	v6 =	vmul.f32 v6, v1  }
0xfe: {  	v7 =	vmul.f32 v22, v2;
	v8 =	vmul.f32 v23, v3;
	_ =	sdelay $0x1  }
0xff: {  	v5 =	vadd.f32 v6, v5;
	v24 =	vadd.f32 v8, v7;
	_ =	sdelay $0x1  }
0x100: {  	v5 =	vadd.f32 v24, v5;
	_ =	sdelay $0x1  }
0x101: {  	(xrf2) =	vadd.scan.msk.f32 $0xffff, v5;
	_ =	sdelay $0x5  }
0x102: {  	v25 =	vor.u32 $0x7, v4;
	_ =	sdelay $0x3  }
0x103: {  	v26, _, _ =	vpop (xrf2)  }
0x104: {  	[tilespmem:v25+s26+$0x0] =	vst.idx.msk vm0, v26  }
0x105: {  	v5 =	vld [tilespmem:s23+$0xFFFFFEC0]  }
0x106: {  	v6 =	vld [tilespmem:s23+$0xFFFFFED0]  }
0x107: {  	v27 =	vld [tilespmem:s23+$0xFFFFFEE0]  }
0x108: {  	v28 =	vld [tilespmem:s23+$0xFFFFFEF0];
	_ =	sdelay $0x3  }
0x109: {  	v5 =	vmul.f32 v5, v0;
	v6 =	vmul.f32 v6, v1  }
0x10a: {  	v7 =	vmul.f32 v27, v2;
	v8 =	vmul.f32 v28, v3;
	_ =	sdelay $0x1  }
0x10b: {  	v5 =	vadd.f32 v6, v5;
	v29 =	vadd.f32 v8, v7;
	_ =	sdelay $0x1  }
0x10c: {  	v5 =	vadd.f32 v29, v5;
	_ =	sdelay $0x1  }
0x10d: {  	(xrf2) =	vadd.scan.msk.f32 $0xffff, v5;
	_ =	sdelay $0x5  }
0x10e: {  	v30 =	vor.u32 $0x8, v4;
	_ =	sdelay $0x3  }
0x10f: {  	v31, _, _ =	vpop (xrf2)  }
0x110: {  	[tilespmem:v30+s26+$0x0] =	vst.idx.msk vm0, v31  }
0x111: {  	v5 =	vld [tilespmem:s23+$0xFFFFFF00]  }
0x112: {  	v6 =	vld [tilespmem:s23+$0xFFFFFF10]  }
0x113: {  	v32 =	vld [tilespmem:s23+$0xFFFFFF20]  }
0x114: {  	v33 =	vld [tilespmem:s23+$0xFFFFFF30];
	_ =	sdelay $0x3  }
0x115: {  	v5 =	vmul.f32 v5, v0;
	v6 =	vmul.f32 v6, v1  }
0x116: {  	v7 =	vmul.f32 v32, v2;
	v8 =	vmul.f32 v33, v3;
	_ =	sdelay $0x1  }
0x117: {  	v5 =	vadd.f32 v6, v5;
	v34 =	vadd.f32 v8, v7;
	_ =	sdelay $0x1  }
0x118: {  	v5 =	vadd.f32 v34, v5;
	_ =	sdelay $0x1  }
0x119: {  	(xrf2) =	vadd.scan.msk.f32 $0xffff, v5;
	_ =	sdelay $0x5  }
0x11a: {  	v35 =	vor.u32 $0x9, v4;
	_ =	sdelay $0x3  }
0x11b: {  	v36, _, _ =	vpop (xrf2)  }
0x11c: {  	[tilespmem:v35+s26+$0x0] =	vst.idx.msk vm0, v36  }
0x11d: {  	v5 =	vld [tilespmem:s23+$0xFFFFFF40]  }
0x11e: {  	v6 =	vld [tilespmem:s23+$0xFFFFFF50]  }
0x11f: {  	v37 =	vld [tilespmem:s23+$0xFFFFFF60]  }
0x120: {  	v38 =	vld [tilespmem:s23+$0xFFFFFF70];
	_ =	sdelay $0x3  }
0x121: {  	v5 =	vmul.f32 v5, v0;
	v6 =	vmul.f32 v6, v1  }
0x122: {  	v7 =	vmul.f32 v37, v2;
	v8 =	vmul.f32 v38, v3;
	_ =	sdelay $0x1  }
0x123: {  	v5 =	vadd.f32 v6, v5;
	v39 =	vadd.f32 v8, v7;
	_ =	sdelay $0x1  }
0x124: {  	v5 =	vadd.f32 v39, v5;
	_ =	sdelay $0x1  }
0x125: {  	(xrf2) =	vadd.scan.msk.f32 $0xffff, v5;
	_ =	sdelay $0x5  }
0x126: {  	v40 =	vor.u32 $0xA, v4;
	_ =	sdelay $0x3  }
0x127: {  	v41, _, _ =	vpop (xrf2)  }
0x128: {  	[tilespmem:v40+s26+$0x0] =	vst.idx.msk vm0, v41  }
0x129: {  	v5 =	vld [tilespmem:s23+$0xFFFFFF80]  }
0x12a: {  	v6 =	vld [tilespmem:s23+$0xFFFFFF90]  }
0x12b: {  	v42 =	vld [tilespmem:s23+$0xFFFFFFA0]  }
0x12c: {  	v43 =	vld [tilespmem:s23+$0xFFFFFFB0];
	_ =	sdelay $0x3  }
0x12d: {  	v5 =	vmul.f32 v5, v0;
	v6 =	vmul.f32 v6, v1  }
0x12e: {  	v7 =	vmul.f32 v42, v2;
	v8 =	vmul.f32 v43, v3;
	_ =	sdelay $0x1  }
0x12f: {  	v5 =	vadd.f32 v6, v5;
	v44 =	vadd.f32 v8, v7;
	_ =	sdelay $0x1  }
0x130: {  	v5 =	vadd.f32 v44, v5;
	_ =	sdelay $0x1  }
0x131: {  	(xrf2) =	vadd.scan.msk.f32 $0xffff, v5;
	_ =	sdelay $0x5  }
0x132: {  	v45 =	vor.u32 $0xB, v4;
	_ =	sdelay $0x3  }
0x133: {  	v46, _, _ =	vpop (xrf2)  }
0x134: {  	[tilespmem:v45+s26+$0x0] =	vst.idx.msk vm0, v46  }
0x135: {  	v5 =	vld [tilespmem:s23+$0xFFFFFFC0]  }
0x136: {  	v6 =	vld [tilespmem:s23+$0xFFFFFFD0]  }
0x137: {  	v47 =	vld [tilespmem:s23+$0xFFFFFFE0]  }
0x138: {  	v48 =	vld [tilespmem:s23+$0xFFFFFFF0];
	_ =	sdelay $0x3  }
0x139: {  	v5 =	vmul.f32 v5, v0;
	v6 =	vmul.f32 v6, v1  }
0x13a: {  	v7 =	vmul.f32 v47, v2;
	v8 =	vmul.f32 v48, v3;
	_ =	sdelay $0x1  }
0x13b: {  	v5 =	vadd.f32 v6, v5;
	v49 =	vadd.f32 v8, v7;
	_ =	sdelay $0x1  }
0x13c: {  	v5 =	vadd.f32 v49, v5;
	_ =	sdelay $0x1  }
0x13d: {  	(xrf2) =	vadd.scan.msk.f32 $0xffff, v5;
	_ =	sdelay $0x5  }
0x13e: {  	v50 =	vor.u32 $0xC, v4;
	_ =	sdelay $0x3  }
0x13f: {  	v51, _, _ =	vpop (xrf2)  }
0x140: {  	[tilespmem:v50+s26+$0x0] =	vst.idx.msk vm0, v51  }
0x141: {  	v5 =	vld [tilespmem:s23+$0x0]  }
0x142: {  	v6 =	vld [tilespmem:s23+$0x10]  }
0x143: {  	v52 =	vld [tilespmem:s23+$0x20]  }
0x144: {  	v53 =	vld [tilespmem:s23+$0x30];
	_ =	sdelay $0x3  }
0x145: {  	v5 =	vmul.f32 v5, v0;
	v6 =	vmul.f32 v6, v1  }
0x146: {  	v7 =	vmul.f32 v52, v2;
	v8 =	vmul.f32 v53, v3;
	_ =	sdelay $0x1  }
0x147: {  	v5 =	vadd.f32 v6, v5;
	v54 =	vadd.f32 v8, v7;
	_ =	sdelay $0x1  }
0x148: {  	v5 =	vadd.f32 v54, v5;
	_ =	sdelay $0x1  }
0x149: {  	(xrf2) =	vadd.scan.msk.f32 $0xffff, v5;
	_ =	sdelay $0x5  }
0x14a: {  	v55 =	vor.u32 $0xD, v4;
	_ =	sdelay $0x3  }
0x14b: {  	v56, _, _ =	vpop (xrf2)  }
0x14c: {  	[tilespmem:v55+s26+$0x0] =	vst.idx.msk vm0, v56  }
0x14d: {  	v5 =	vld [tilespmem:s23+$0x40]  }
0x14e: {  	v6 =	vld [tilespmem:s23+$0x50]  }
0x14f: {  	v57 =	vld [tilespmem:s23+$0x60]  }
0x150: {  	v58 =	vld [tilespmem:s23+$0x70];
	_ =	sdelay $0x3  }
0x151: {  	v5 =	vmul.f32 v5, v0;
	v6 =	vmul.f32 v6, v1  }
0x152: {  	v7 =	vmul.f32 v57, v2;
	v8 =	vmul.f32 v58, v3;
	_ =	sdelay $0x1  }
0x153: {  	v5 =	vadd.f32 v6, v5;
	v59 =	vadd.f32 v8, v7;
	_ =	sdelay $0x1  }
0x154: {  	v5 =	vadd.f32 v59, v5;
	_ =	sdelay $0x1  }
0x155: {  	(xrf2) =	vadd.scan.msk.f32 $0xffff, v5;
	_ =	sdelay $0x5  }
0x156: {  	v60 =	vor.u32 $0xE, v4;
	_ =	sdelay $0x3  }
0x157: {  	v61, _, _ =	vpop (xrf2)  }
0x158: {  	[tilespmem:v60+s26+$0x0] =	vst.idx.msk vm0, v61  }
0x159: {  	v5 =	vld [tilespmem:s23+$0x80]  }
0x15a: {  	v6 =	vld [tilespmem:s23+$0x90]  }
0x15b: {  	v62 =	vld [tilespmem:s23+$0xA0]  }
0x15c: {  	v63 =	vld [tilespmem:s23+$0xB0];
	_ =	sdelay $0x3  }
0x15d: {  	v5 =	vmul.f32 v5, v0;
	v6 =	vmul.f32 v6, v1  }
0x15e: {  	v7 =	vmul.f32 v62, v2;
	v8 =	vmul.f32 v63, v3;
	_ =	sdelay $0x1  }
0x15f: {  	v5 =	vadd.f32 v6, v5;
	v11 =	vadd.f32 v8, v7;
	_ =	sdelay $0x1  }
0x160: {  	v5 =	vadd.f32 v11, v5;
	_ =	sdelay $0x1  }
0x161: {  	(xrf2) =	vadd.scan.msk.f32 $0xffff, v5;
	_ =	sdelay $0x5  }
0x162: {  	v12 =	vor.u32 $0xF, v4;
	_ =	sdelay $0x3  }
0x163: {  	v13, _, _ =	vpop (xrf2)  }
0x164: {  	[tilespmem:v12+s26+$0x0] =	vst.idx.msk vm0, v13  }
0x165: {  	v5 =	vld [tilespmem:s23+$0xC0]  }
0x166: {  	v6 =	vld [tilespmem:s23+$0xD0]  }
0x167: {  	v14 =	vld [tilespmem:s23+$0xE0]  }
0x168: {  	v15 =	vld [tilespmem:s23+$0xF0];
	_ =	sdelay $0x3  }
0x169: {  	v5 =	vmul.f32 v5, v0;
	v6 =	vmul.f32 v6, v1  }
0x16a: {  	v7 =	vmul.f32 v14, v2;
	v8 =	vmul.f32 v15, v3;
	_ =	sdelay $0x1  }
0x16b: {  	v5 =	vadd.f32 v6, v5;
	v16 =	vadd.f32 v8, v7;
	_ =	sdelay $0x1  }
0x16c: {  	v5 =	vadd.f32 v16, v5;
	_ =	sdelay $0x1  }
0x16d: {  	(xrf2) =	vadd.scan.msk.f32 $0xffff, v5;
	_ =	sdelay $0x5  }
0x16e: {  	v17 =	vor.u32 $0x10, v4;
	_ =	sdelay $0x3  }
0x16f: {  	v18, _, _ =	vpop (xrf2)  }
0x170: {  	[tilespmem:v17+s26+$0x0] =	vst.idx.msk vm0, v18  }
0x171: {  	v5 =	vld [tilespmem:s23+$0x100]  }
0x172: {  	v6 =	vld [tilespmem:s23+$0x110]  }
0x173: {  	v19 =	vld [tilespmem:s23+$0x120]  }
0x174: {  	v20 =	vld [tilespmem:s23+$0x130];
	_ =	sdelay $0x3  }
0x175: {  	v5 =	vmul.f32 v5, v0;
	v6 =	vmul.f32 v6, v1  }
0x176: {  	v7 =	vmul.f32 v19, v2;
	v8 =	vmul.f32 v20, v3;
	_ =	sdelay $0x1  }
0x177: {  	v5 =	vadd.f32 v6, v5;
	v21 =	vadd.f32 v8, v7;
	_ =	sdelay $0x1  }
0x178: {  	v5 =	vadd.f32 v21, v5;
	_ =	sdelay $0x1  }
0x179: {  	(xrf2) =	vadd.scan.msk.f32 $0xffff, v5;
	_ =	sdelay $0x5  }
0x17a: {  	v22 =	vor.u32 $0x11, v4;
	_ =	sdelay $0x3  }
0x17b: {  	v23, _, _ =	vpop (xrf2)  }
0x17c: {  	[tilespmem:v22+s26+$0x0] =	vst.idx.msk vm0, v23  }
0x17d: {  	v5 =	vld [tilespmem:s23+$0x140]  }
0x17e: {  	v6 =	vld [tilespmem:s23+$0x150]  }
0x17f: {  	v24 =	vld [tilespmem:s23+$0x160]  }
0x180: {  	v25 =	vld [tilespmem:s23+$0x170];
	_ =	sdelay $0x3  }
0x181: {  	v5 =	vmul.f32 v5, v0;
	v6 =	vmul.f32 v6, v1  }
0x182: {  	v7 =	vmul.f32 v24, v2;
	v8 =	vmul.f32 v25, v3;
	_ =	sdelay $0x1  }
0x183: {  	v5 =	vadd.f32 v6, v5;
	v26 =	vadd.f32 v8, v7;
	_ =	sdelay $0x1  }
0x184: {  	v5 =	vadd.f32 v26, v5;
	_ =	sdelay $0x1  }
0x185: {  	(xrf2) =	vadd.scan.msk.f32 $0xffff, v5;
	_ =	sdelay $0x5  }
0x186: {  	v27 =	vor.u32 $0x12, v4;
	_ =	sdelay $0x3  }
0x187: {  	v28, _, _ =	vpop (xrf2)  }
0x188: {  	[tilespmem:v27+s26+$0x0] =	vst.idx.msk vm0, v28  }
0x189: {  	v5 =	vld [tilespmem:s23+$0x180]  }
0x18a: {  	v6 =	vld [tilespmem:s23+$0x190]  }
0x18b: {  	v29 =	vld [tilespmem:s23+$0x1A0]  }
0x18c: {  	v30 =	vld [tilespmem:s23+$0x1B0];
	_ =	sdelay $0x3  }
0x18d: {  	v5 =	vmul.f32 v5, v0;
	v6 =	vmul.f32 v6, v1  }
0x18e: {  	v7 =	vmul.f32 v29, v2;
	v8 =	vmul.f32 v30, v3;
	_ =	sdelay $0x1  }
0x18f: {  	v5 =	vadd.f32 v6, v5;
	v31 =	vadd.f32 v8, v7;
	_ =	sdelay $0x1  }
0x190: {  	v5 =	vadd.f32 v31, v5;
	_ =	sdelay $0x1  }
0x191: {  	(xrf2) =	vadd.scan.msk.f32 $0xffff, v5;
	_ =	sdelay $0x5  }
0x192: {  	v32 =	vor.u32 $0x13, v4;
	_ =	sdelay $0x3  }
0x193: {  	v33, _, _ =	vpop (xrf2)  }
0x194: {  	[tilespmem:v32+s26+$0x0] =	vst.idx.msk vm0, v33  }
0x195: {  	v5 =	vld [tilespmem:s23+$0x1C0]  }
0x196: {  	v6 =	vld [tilespmem:s23+$0x1D0]  }
0x197: {  	v34 =	vld [tilespmem:s23+$0x1E0]  }
0x198: {  	v35 =	vld [tilespmem:s23+$0x1F0];
	_ =	sdelay $0x3  }
0x199: {  	v5 =	vmul.f32 v5, v0;
	v6 =	vmul.f32 v6, v1  }
0x19a: {  	v7 =	vmul.f32 v34, v2;
	v8 =	vmul.f32 v35, v3;
	_ =	sdelay $0x1  }
0x19b: {  	v5 =	vadd.f32 v6, v5;
	v36 =	vadd.f32 v8, v7;
	_ =	sdelay $0x1  }
0x19c: {  	v5 =	vadd.f32 v36, v5;
	_ =	sdelay $0x1  }
0x19d: {  	(xrf2) =	vadd.scan.msk.f32 $0xffff, v5;
	_ =	sdelay $0x5  }
0x19e: {  	v37 =	vor.u32 $0x14, v4;
	_ =	sdelay $0x3  }
0x19f: {  	v38, _, _ =	vpop (xrf2)  }
0x1a0: {  	[tilespmem:v37+s26+$0x0] =	vst.idx.msk vm0, v38  }
0x1a1: {  	v5 =	vld [tilespmem:s23+$0x200]  }
0x1a2: {  	v6 =	vld [tilespmem:s23+$0x210]  }
0x1a3: {  	v39 =	vld [tilespmem:s23+$0x220]  }
0x1a4: {  	v40 =	vld [tilespmem:s23+$0x230];
	_ =	sdelay $0x3  }
0x1a5: {  	v5 =	vmul.f32 v5, v0;
	v6 =	vmul.f32 v6, v1  }
0x1a6: {  	v7 =	vmul.f32 v39, v2;
	v8 =	vmul.f32 v40, v3;
	_ =	sdelay $0x1  }
0x1a7: {  	v5 =	vadd.f32 v6, v5;
	v41 =	vadd.f32 v8, v7;
	_ =	sdelay $0x1  }
0x1a8: {  	v5 =	vadd.f32 v41, v5;
	_ =	sdelay $0x1  }
0x1a9: {  	(xrf2) =	vadd.scan.msk.f32 $0xffff, v5;
	_ =	sdelay $0x5  }
0x1aa: {  	v42 =	vor.u32 $0x15, v4;
	_ =	sdelay $0x3  }
0x1ab: {  	v43, _, _ =	vpop (xrf2)  }
0x1ac: {  	[tilespmem:v42+s26+$0x0] =	vst.idx.msk vm0, v43  }
0x1ad: {  	v5 =	vld [tilespmem:s23+$0x240]  }
0x1ae: {  	v6 =	vld [tilespmem:s23+$0x250]  }
0x1af: {  	v44 =	vld [tilespmem:s23+$0x260]  }
0x1b0: {  	v45 =	vld [tilespmem:s23+$0x270];
	_ =	sdelay $0x3  }
0x1b1: {  	v5 =	vmul.f32 v5, v0;
	v6 =	vmul.f32 v6, v1  }
0x1b2: {  	v7 =	vmul.f32 v44, v2;
	v8 =	vmul.f32 v45, v3;
	_ =	sdelay $0x1  }
0x1b3: {  	v5 =	vadd.f32 v6, v5;
	v46 =	vadd.f32 v8, v7;
	_ =	sdelay $0x1  }
0x1b4: {  	v5 =	vadd.f32 v46, v5;
	_ =	sdelay $0x1  }
0x1b5: {  	(xrf2) =	vadd.scan.msk.f32 $0xffff, v5;
	_ =	sdelay $0x5  }
0x1b6: {  	v47 =	vor.u32 $0x16, v4;
	_ =	sdelay $0x3  }
0x1b7: {  	v48, _, _ =	vpop (xrf2)  }
0x1b8: {  	[tilespmem:v47+s26+$0x0] =	vst.idx.msk vm0, v48  }
0x1b9: {  	v5 =	vld [tilespmem:s23+$0x280]  }
0x1ba: {  	v6 =	vld [tilespmem:s23+$0x290]  }
0x1bb: {  	v49 =	vld [tilespmem:s23+$0x2A0]  }
0x1bc: {  	v50 =	vld [tilespmem:s23+$0x2B0];
	_ =	sdelay $0x3  }
0x1bd: {  	v5 =	vmul.f32 v5, v0;
	v6 =	vmul.f32 v6, v1  }
0x1be: {  	v7 =	vmul.f32 v49, v2;
	v8 =	vmul.f32 v50, v3;
	_ =	sdelay $0x1  }
0x1bf: {  	v5 =	vadd.f32 v6, v5;
	v51 =	vadd.f32 v8, v7;
	_ =	sdelay $0x1  }
0x1c0: {  	v5 =	vadd.f32 v51, v5;
	_ =	sdelay $0x1  }
0x1c1: {  	(xrf2) =	vadd.scan.msk.f32 $0xffff, v5;
	_ =	sdelay $0x5  }
0x1c2: {  	v52 =	vor.u32 $0x17, v4;
	_ =	sdelay $0x3  }
0x1c3: {  	v53, _, _ =	vpop (xrf2)  }
0x1c4: {  	[tilespmem:v52+s26+$0x0] =	vst.idx.msk vm0, v53  }
0x1c5: {  	v5 =	vld [tilespmem:s23+$0x2C0]  }
0x1c6: {  	v6 =	vld [tilespmem:s23+$0x2D0]  }
0x1c7: {  	v54 =	vld [tilespmem:s23+$0x2E0]  }
0x1c8: {  	v55 =	vld [tilespmem:s23+$0x2F0];
	_ =	sdelay $0x3  }
0x1c9: {  	v5 =	vmul.f32 v5, v0;
	v6 =	vmul.f32 v6, v1  }
0x1ca: {  	v7 =	vmul.f32 v54, v2;
	v8 =	vmul.f32 v55, v3;
	_ =	sdelay $0x1  }
0x1cb: {  	v5 =	vadd.f32 v6, v5;
	v56 =	vadd.f32 v8, v7;
	_ =	sdelay $0x1  }
0x1cc: {  	v5 =	vadd.f32 v56, v5;
	_ =	sdelay $0x1  }
0x1cd: {  	(xrf2) =	vadd.scan.msk.f32 $0xffff, v5;
	_ =	sdelay $0x5  }
0x1ce: {  	v57 =	vor.u32 $0x18, v4;
	_ =	sdelay $0x3  }
0x1cf: {  	v58, _, _ =	vpop (xrf2)  }
0x1d0: {  	[tilespmem:v57+s26+$0x0] =	vst.idx.msk vm0, v58  }
0x1d1: {  	v5 =	vld [tilespmem:s23+$0x300]  }
0x1d2: {  	v6 =	vld [tilespmem:s23+$0x310]  }
0x1d3: {  	v59 =	vld [tilespmem:s23+$0x320]  }
0x1d4: {  	v60 =	vld [tilespmem:s23+$0x330];
	_ =	sdelay $0x3  }
0x1d5: {  	v0 =	vmul.f32 v5, v0;
	v1 =	vmul.f32 v6, v1  }
0x1d6: {  	v2 =	vmul.f32 v59, v2;
	v3 =	vmul.f32 v60, v3;
	_ =	sdelay $0x1  }
0x1d7: {  	v0 =	vadd.f32 v1, v0;
	v61 =	vadd.f32 v3, v2;
	_ =	sdelay $0x1  }
0x1d8: {  	v0 =	vadd.f32 v61, v0;
	_ =	sdelay $0x1  }
0x1d9: {  	(xrf2) =	vadd.scan.msk.f32 $0xffff, v0;
	_ =	sdelay $0x5  }
0x1da: {  	p2 =	sne.s32 s19, $0xF;
	v62 =	vor.u32 $0x19, v4  }
.Ltmp1:
0x1db: {  	_ = 	snop;
	(pc) =	sbr.rel @p2 .LBB2_5-.Ltmp1, $3  }
0x1dc: {  	_ =	sdelay $0x1  }
0x1dd: {  	s24 =	sadd.s32 $0x40, s24;
	v63, _, _ =	vpop (xrf2)  }
0x1de: {  	s19 =	sadd.s32 $0x1, s19;
	s15 =	sadd.s32 $0x500, s15;
	s23 =	sadd.s32 $0x680, s23;
	[tilespmem:v62+s26+$0x0] =	vst.idx.msk vm0, v63  }
0x1df: {  	s1 =	sshll.u32 s1, $0x6  }
0x1e0: {  	s9 =	sshll.u32 s18, $0x9;
	p2 =	sne.s32 s0, $0x7;
	p1 =	por !p1, !p1  }
0x1e1: {  	s1 =	sadd.s32 s1, s13;
	s9 =	sor.u32 $0x1E900, s9;
	p1 =	por p2, p1  }
0x1e2: {  	[hbm4b:s1+s2] =	stream.linear.scatter [tilespmem:s9], [sflag:$0x4], $0x200, $0x38;
	[tilespmem:$0x1ED00] =	vst v63  }
0x1e3: {  	s0 =	sshll.u32 @!p1 s17, $0x4  }
0x1e4: {  	s0 =	sand.u32 @!p1 $0x3FFFFFF0, s0  }
0x1e5: {  	s1 =	simm.s32 @!p1 $0x80;
	s9 =	simm.s32 @!p1 $0xC900;
	s0 =	sadd.s32 @!p1 $0x300, s0  }
0x1e6: {  	[tilespmem:s9], [sflag:$0x3] =	stream.indirect.gather @!p1 [hbm4b:s3+s1], $0x40, s0, s1, $0xb8;
	[tilespmem:$0x1ED00] =	vst v63  }
0x1e7: {  	p1 =	sne.s32 s17, $0x20  }
.Ltmp2:
0x1e8: {  	_ = 	snop;
	(pc) =	sbr.rel @p1 .LBB2_2-.Ltmp2, $2  }
0x1e9: {  	_ =	sdelay $0x2  }
0x1ea: {  	p0 =	por !p0, !p0;
	s31 =	sadd.s32 $0x1, s31;
	s1 =	smov.u32 s17  }
0x1eb: {  	s30 =	sadd.s32 $0x1, s30  }
0x1ec: {  	_ =	swait.ge [sflag:s28], $0x200;
	p0 =	sne.s32 s30, s14  }
.Ltmp3:
0x1ed: {  	[sflag:s28] =	ssyncset.done $0x0;
	(pc) =	sbr.rel @p0 .LBB2_1-.Ltmp3, $4  }
0x1ee: {  	[sflag:s28] =	ssyncadd.s32 $0xFFFFFE00  }
0x1ef: {  	_ =	swait.ge [sflag:s28], $0x200  }
0x1f0: {  	[sflag:s28] =	ssyncset.done $0x0  }
0x1f1: {  	[sflag:s28] =	ssyncadd.s32 $0xFFFFFE00  }
0x1f2: {  	_ =	sfence.sel $0x180000  }
0x1f3: {  	[bflag:$0x0] =	sbarrier.arrive $0xFFFF  }
0x1f4: {  	_ =	strace $0x90000047  }
0x1f5: {  	s0 =	stileid.u32;
	[bflag:$0x2] =	sbarrier.arrive $0xFFFF  }
0x1f6: {  	p0 =	sne.s32 s0, $0x0;
	s0 =	rddreg [dreg:$0x3]  }
0x1f7: {  	s0 =	sadd.s32 @!p0 $0x100000, s0  }
0x1f8: {  	[sflag:s0] =	ssyncadd.tile.s32 @!p0 $0x1;
	_ =	shalt  }
.Lfunc_end2:
_tile_overlayer_lowered:
.L_overlay_start_2:
0x1f9: {  	(tag) =	ssettag $0x2  }
0x1fa: {  	s0 =	rddreg [dreg:$0x0];
	s2 =	stileid.u32  }
0x1fb: {  	s1 =	rddreg [dreg:$0x1];
	p0 =	sne.s32 s2, $0x0  }
0x1fc: {  	s3 =	rddreg [dreg:$0x2];
	[bflag:$0x3] =	sbarrier.arrive $0xFFFF;
	s2 =	simm.s32 @!p0 $0x1C05  }
0x1fd: {  	[timem:s3], [sflag:s2] =	dma.local @!p0 [hbm:s0], s1  }
0x1fe: {  	s0 =	simm.s32 @!p0 $0x5  }
0x1ff: {  	_ =	swait.ge @!p0 [sflag:s0], s1  }
0x200: {  	s1 =	ssub.s32 @!p0 $0x0, s1;
	[sflag:s0] =	ssyncset.done @!p0 $0x0  }
0x201: {  	[sflag:s0] =	ssyncadd.s32 @!p0 s1  }
0x202: {  	[bflag:$0x3] =	sbarrier.arrive $0xFFFF  }
0x203: {  	_ =	shalt  }

</sc_bundles>
